<compile_context>
chip_gen: v7x
topology: tpu7x:2x2x1
jax: 0.10.2.dev20260603
libtpu: 0.0.44.dev20260713+nightly
codegen_flags: <defaults>
</compile_context>

<pallas_src>
import functools

import jax
import jax.numpy as jnp
from jax import lax
from jax.experimental import pallas as pl
from jax.experimental.pallas import tpu as pltpu
from jax.experimental.pallas import tpu_sc as plsc

_NC = 2
_NS = 16
_LANES = 16

_ZPAD = 128


def _sc_select_gather(table, tid, flag, winner, P, D, V):
    NW = _NC * _NS
    per_w = P // NW
    CH = 128
    NBUF = 5
    n_iter = per_w // CH
    assert n_iter % NBUF == 0
    zero_idx = V
    unk_base = V + _ZPAD - 1
    mesh = plsc.VectorSubcoreMesh(core_axis_name="c", subcore_axis_name="s")

    @functools.partial(
        pl.kernel,
        mesh=mesh,
        out_type=jax.ShapeDtypeStruct((P, D), jnp.float32),
        scratch_types=[
            pltpu.VMEM((per_w,), jnp.int32),
            pltpu.VMEM((per_w,), jnp.int32),
            pltpu.VMEM((per_w,), jnp.int32),
            pltpu.VMEM((per_w,), jnp.int32),
        ] + [pltpu.VMEM((CH, D), jnp.float32) for _ in range(NBUF)]
          + [pltpu.SemaphoreType.DMA for _ in range(2 * NBUF)],
    )
    def k(table_hbm, tid_hbm, flag_hbm, w_hbm, out_hbm,
          tid_v, flag_v, w_v, idx_v, *bufs_and_sems):
        rows = bufs_and_sems[:NBUF]
        semg = bufs_and_sems[NBUF:2 * NBUF]
        semw = bufs_and_sems[2 * NBUF:]
        wid = lax.axis_index("s") * _NC + lax.axis_index("c")
        base = wid * per_w

        pltpu.sync_copy(tid_hbm.at[pl.ds(base, per_w)], tid_v)
        pltpu.sync_copy(flag_hbm.at[pl.ds(base, per_w)], flag_v)
        pltpu.sync_copy(w_hbm.at[pl.ds(base, per_w)], w_v)

        lane = lax.iota(jnp.int32, _LANES)

        @pl.loop(0, per_w // _LANES)
        def _(j):
            sl = pl.ds(j * _LANES, _LANES)
            t = tid_v[sl]
            f = flag_v[sl]
            w = w_v[sl]
            zrow = zero_idx + jnp.bitwise_and(j * _LANES + lane, _ZPAD - 1)
            cached = jnp.where(f > 0, t, zrow)
            idx_v[sl] = jnp.where(w > 0, w + unk_base, cached)

        def start_gather(i, b):
            pltpu.async_copy(
                table_hbm.at[idx_v.at[pl.ds(i * CH, CH)]], rows[b], semg[b])

        def wait_gather(i, b):
            pltpu.make_async_copy(
                table_hbm.at[idx_v.at[pl.ds(i * CH, CH)]], rows[b],
                semg[b]).wait()

        def start_wb(i, b):
            pltpu.async_copy(
                rows[b], out_hbm.at[pl.ds(base + i * CH, CH)], semw[b])

        def wait_wb(i, b):
            pltpu.make_async_copy(
                rows[b], out_hbm.at[pl.ds(base + i * CH, CH)], semw[b]).wait()

        for b in range(NBUF):
            start_gather(b, b)

        @pl.loop(0, n_iter, step=NBUF)
        def _(g):
            for b in range(NBUF):
                i = g + b
                wait_gather(i, b)
                start_wb(i, b)

                @pl.when(i + NBUF < n_iter)
                def _():
                    wait_wb(i, b)
                    start_gather(i + NBUF, b)

        for b in range(NBUF):
            wait_wb(n_iter - NBUF + b, b)

    return k(table, tid, flag, winner)


def _tc_mask(seq_lens, L):
    B = seq_lens.shape[0]

    def body(sl_ref, o_ref):
        col = lax.broadcasted_iota(jnp.int32, (B, L), 1)
        o_ref[...] = (col < sl_ref[...]).astype(jnp.float32)

    return pl.pallas_call(
        body,
        out_shape=jax.ShapeDtypeStruct((B, L), jnp.float32),
    )(seq_lens.reshape(B, 1))


def kernel(cache_table, unknown_embeddings, token_ids, known_flag,
           unknown_rows, unknown_cols, seq_lens):
    B, L = token_ids.shape
    V, D = cache_table.shape
    U = unknown_embeddings.shape[0]
    P = B * L

    table = jnp.concatenate(
        [cache_table, jnp.zeros((_ZPAD, D), jnp.float32), unknown_embeddings],
        axis=0)
    lin = unknown_rows.astype(jnp.int32) * L + unknown_cols.astype(jnp.int32)
    winner = jnp.zeros((P,), jnp.int32).at[lin].max(
        jnp.arange(1, U + 1, dtype=jnp.int32))

    emb = _sc_select_gather(table, token_ids.reshape(P), known_flag.reshape(P),
                            winner, P, D, V)
    mask = _tc_mask(seq_lens, L)
    return emb.reshape(B, L, D), mask

# --- scband reference (transcript-rebuilt; emitter-appended) ---
"""Pipeline reference for scband-precomputed-embeddings-vectorizer-73864847557071 (READ-ONLY COPY).

The authoritative reference and input builder live on the scoring server;
editing this copy changes nothing except your own understanding.
"""

import jax, jax.numpy as jnp
import numpy as np


def setup_inputs(seed: int = 0) -> dict:
    key = jax.random.key(seed)
    k1, k2, k3, k4, k5, k6, k7 = jax.random.split(key, 7)
    cache_table = jax.random.normal(k1, (100000, 128), dtype=jnp.float32)
    unknown_embeddings = jax.random.normal(k2, (40960, 128), dtype=jnp.float32)
    token_ids = jax.random.randint(k3, (1024, 200), 0, 100000, dtype=jnp.int32)
    known_flag = jax.random.randint(k4, (1024, 200), 0, 2, dtype=jnp.int32)
    unknown_rows = jax.random.randint(k5, (40960,), 0, 1024, dtype=jnp.int32)
    unknown_cols = jax.random.randint(k6, (40960,), 0, 200, dtype=jnp.int32)
    seq_lens = jax.random.randint(k7, (1024,), 0, 200, dtype=jnp.int32)
    return {
        "cache_table": cache_table,
        "unknown_embeddings": unknown_embeddings,
        "token_ids": token_ids,
        "known_flag": known_flag,
        "unknown_rows": unknown_rows,
        "unknown_cols": unknown_cols,
        "seq_lens": seq_lens,
    }


def reference(cache_table, unknown_embeddings, token_ids, known_flag,
              unknown_rows, unknown_cols, seq_lens):
    # PrecomputedEmbeddingsVectorizer.__call__ core:
    # 1) known tokens: gather embedding from cache (cache hit path)
    # 2) unknown tokens: overwrite token_embeddings[rows, cols] with freshly
    #    embedded vectors (scatter-overwrite, the line
    #    token_embeddings[unknown_token_rows, unknown_token_columns] = unknown_token_embeddings)
    # 3) build padding mask per sentence length
    B, L = token_ids.shape
    known = known_flag.astype(jnp.float32)
    # cache-hit gather; positions that were unknown/padded stay zero
    token_embeddings = jnp.take(cache_table, token_ids, axis=0) * known[..., None]
    # scatter-overwrite freshly computed embeddings for cache misses
    token_embeddings = token_embeddings.at[unknown_rows, unknown_cols].set(unknown_embeddings)
    mask = (jnp.arange(L, dtype=jnp.int32)[None, :] < seq_lens[:, None]).astype(jnp.float32)
    return token_embeddings, mask

if __name__ == "__main__":
    import jax
    _d = setup_inputs()
    print(jax.jit(kernel)(*tuple(_d.values())))

</pallas_src>

<mosaic_0001>
#map = affine_map<(d0, d1) -> (0, 0)>
#map1 = affine_map<(d0, d1) -> (0)>
module attributes {stable_mosaic.version = 14 : i64} {
  func.func @k(%arg0: i32, %arg1: i32, %arg2: memref<141088x128xf32, #tpu.memory_space<hbm>>, %arg3: memref<204800xi32, #tpu.memory_space<hbm>>, %arg4: memref<204800xi32, #tpu.memory_space<hbm>>, %arg5: memref<204800xi32, #tpu.memory_space<hbm>>, %arg6: memref<204800x128xf32, #tpu.memory_space<hbm>>, %arg7: memref<6400xi32, #tpu.memory_space<vmem>>, %arg8: memref<6400xi32, #tpu.memory_space<vmem>>, %arg9: memref<6400xi32, #tpu.memory_space<vmem>>, %arg10: memref<6400xi32, #tpu.memory_space<vmem>>, %arg11: memref<128x128xf32, #tpu.memory_space<vmem>>, %arg12: memref<128x128xf32, #tpu.memory_space<vmem>>, %arg13: memref<128x128xf32, #tpu.memory_space<vmem>>, %arg14: memref<128x128xf32, #tpu.memory_space<vmem>>, %arg15: memref<128x128xf32, #tpu.memory_space<vmem>>, %arg16: memref<!tpu.dma_semaphore, #tpu.memory_space<semaphore_mem>>, %arg17: memref<!tpu.dma_semaphore, #tpu.memory_space<semaphore_mem>>, %arg18: memref<!tpu.dma_semaphore, #tpu.memory_space<semaphore_mem>>, %arg19: memref<!tpu.dma_semaphore, #tpu.memory_space<semaphore_mem>>, %arg20: memref<!tpu.dma_semaphore, #tpu.memory_space<semaphore_mem>>, %arg21: memref<!tpu.dma_semaphore, #tpu.memory_space<semaphore_mem>>, %arg22: memref<!tpu.dma_semaphore, #tpu.memory_space<semaphore_mem>>, %arg23: memref<!tpu.dma_semaphore, #tpu.memory_space<semaphore_mem>>, %arg24: memref<!tpu.dma_semaphore, #tpu.memory_space<semaphore_mem>>, %arg25: memref<!tpu.dma_semaphore, #tpu.memory_space<semaphore_mem>>) attributes {dimension_semantics = [#tpu.dimension_semantics<core_parallel>, #tpu.dimension_semantics<subcore_parallel>], iteration_bounds = array<i64: 2, 16>, scalar_prefetch = 0 : i64, scratch_operands = 19 : i64, tpu.core_type = #tpu.core_type<sc_vector_subcore>, window_params = [{transform_indices = #map}, {transform_indices = #map1}, {transform_indices = #map1}, {transform_indices = #map1}, {transform_indices = #map}]} {
    %mul3A = arith.constant 2 : i32
    %mul3A_0 = arith.muli %arg1, %mul3A : i32
    %add3A = arith.addi %mul3A_0, %arg0 : i32
    %mul3A_1 = arith.constant 6400 : i32
    %mul3A_2 = arith.muli %add3A, %mul3A_1 : i32
    "tpu.region"() ({
      %run_scoped3A = tpu.sem_alloc : memref<!tpu.dma_semaphore, #tpu.memory_space<semaphore_mem>>
      %dma_start3A_65 = tpu.memref_slice %arg3[%mul3A_2] : memref<204800xi32, #tpu.memory_space<hbm>> -> memref<6400xi32, #tpu.memory_space<hbm>>
      %dma_start3A_66 = tpu.memref_slice %arg3[%mul3A_2] : memref<204800xi32, #tpu.memory_space<hbm>> -> memref<6400xi32, #tpu.memory_space<hbm>>
      tpu.enqueue_dma source(%dma_start3A_66 : memref<6400xi32, #tpu.memory_space<hbm>>) target(%arg7 : memref<6400xi32, #tpu.memory_space<vmem>>) target_semaphore(%run_scoped3A : memref<!tpu.dma_semaphore, #tpu.memory_space<semaphore_mem>>)
      %dma_wait3A_67 = tpu.memref_slice %arg3[%mul3A_2] : memref<204800xi32, #tpu.memory_space<hbm>> -> memref<6400xi32, #tpu.memory_space<hbm>>
      %dma_wait3A_68 = tpu.memref_slice %arg3[%mul3A_2] : memref<204800xi32, #tpu.memory_space<hbm>> -> memref<6400xi32, #tpu.memory_space<hbm>>
      tpu.wait_dma2 semaphore(%run_scoped3A : memref<!tpu.dma_semaphore, #tpu.memory_space<semaphore_mem>>) src(%dma_wait3A_68 : memref<6400xi32, #tpu.memory_space<hbm>>) dst(%arg7 : memref<6400xi32, #tpu.memory_space<vmem>>)
      tpu.yield
    }) : () -> ()
    "tpu.region"() ({
      %run_scoped3A = tpu.sem_alloc : memref<!tpu.dma_semaphore, #tpu.memory_space<semaphore_mem>>
      %dma_start3A_65 = tpu.memref_slice %arg4[%mul3A_2] : memref<204800xi32, #tpu.memory_space<hbm>> -> memref<6400xi32, #tpu.memory_space<hbm>>
      %dma_start3A_66 = tpu.memref_slice %arg4[%mul3A_2] : memref<204800xi32, #tpu.memory_space<hbm>> -> memref<6400xi32, #tpu.memory_space<hbm>>
      tpu.enqueue_dma source(%dma_start3A_66 : memref<6400xi32, #tpu.memory_space<hbm>>) target(%arg8 : memref<6400xi32, #tpu.memory_space<vmem>>) target_semaphore(%run_scoped3A : memref<!tpu.dma_semaphore, #tpu.memory_space<semaphore_mem>>)
      %dma_wait3A_67 = tpu.memref_slice %arg4[%mul3A_2] : memref<204800xi32, #tpu.memory_space<hbm>> -> memref<6400xi32, #tpu.memory_space<hbm>>
      %dma_wait3A_68 = tpu.memref_slice %arg4[%mul3A_2] : memref<204800xi32, #tpu.memory_space<hbm>> -> memref<6400xi32, #tpu.memory_space<hbm>>
      tpu.wait_dma2 semaphore(%run_scoped3A : memref<!tpu.dma_semaphore, #tpu.memory_space<semaphore_mem>>) src(%dma_wait3A_68 : memref<6400xi32, #tpu.memory_space<hbm>>) dst(%arg8 : memref<6400xi32, #tpu.memory_space<vmem>>)
      tpu.yield
    }) : () -> ()
    "tpu.region"() ({
      %run_scoped3A = tpu.sem_alloc : memref<!tpu.dma_semaphore, #tpu.memory_space<semaphore_mem>>
      %dma_start3A_65 = tpu.memref_slice %arg5[%mul3A_2] : memref<204800xi32, #tpu.memory_space<hbm>> -> memref<6400xi32, #tpu.memory_space<hbm>>
      %dma_start3A_66 = tpu.memref_slice %arg5[%mul3A_2] : memref<204800xi32, #tpu.memory_space<hbm>> -> memref<6400xi32, #tpu.memory_space<hbm>>
      tpu.enqueue_dma source(%dma_start3A_66 : memref<6400xi32, #tpu.memory_space<hbm>>) target(%arg9 : memref<6400xi32, #tpu.memory_space<vmem>>) target_semaphore(%run_scoped3A : memref<!tpu.dma_semaphore, #tpu.memory_space<semaphore_mem>>)
      %dma_wait3A_67 = tpu.memref_slice %arg5[%mul3A_2] : memref<204800xi32, #tpu.memory_space<hbm>> -> memref<6400xi32, #tpu.memory_space<hbm>>
      %dma_wait3A_68 = tpu.memref_slice %arg5[%mul3A_2] : memref<204800xi32, #tpu.memory_space<hbm>> -> memref<6400xi32, #tpu.memory_space<hbm>>
      tpu.wait_dma2 semaphore(%run_scoped3A : memref<!tpu.dma_semaphore, #tpu.memory_space<semaphore_mem>>) src(%dma_wait3A_68 : memref<6400xi32, #tpu.memory_space<hbm>>) dst(%arg9 : memref<6400xi32, #tpu.memory_space<vmem>>)
      tpu.yield
    }) : () -> ()
    %iota3A = tpu.iota {dimensions = array<i32: 0>} : vector<16xi32>
    %scan3A = arith.constant 0 : i32
    %scan3A_3 = arith.constant 400 : i32
    %scan3A_4 = arith.addi %scan3A, %scan3A_3 : i32
    %scan3A_5 = arith.constant 1 : i32
    scf.for %scan3A_65 = %scan3A to %scan3A_4 step %scan3A_5  : i32 {
      %mul3A_66 = arith.constant 1 : i32
      %mul3A_67 = arith.muli %scan3A_65, %mul3A_66 : i32
      %add3A_68 = arith.constant 0 : i32
      %add3A_69 = arith.addi %add3A_68, %mul3A_67 : i32
      %mul3A_70 = arith.constant 16 : i32
      %mul3A_71 = arith.muli %add3A_69, %mul3A_70 : i32
      %get3A = arith.index_cast %mul3A_71 : i32 to index
      %get3A_72 = tpu.vector_load %arg7[%get3A] {strides = array<i32>} : memref<6400xi32, #tpu.memory_space<vmem>>, vector<16xi32>,
      %get3A_73 = vector.shape_cast %get3A_72 : vector<16xi32> to vector<16xi32>
      %get3A_74 = arith.index_cast %mul3A_71 : i32 to index
      %get3A_75 = tpu.vector_load %arg8[%get3A_74] {strides = array<i32>} : memref<6400xi32, #tpu.memory_space<vmem>>, vector<16xi32>,
      %get3A_76 = vector.shape_cast %get3A_75 : vector<16xi32> to vector<16xi32>
      %get3A_77 = arith.index_cast %mul3A_71 : i32 to index
      %get3A_78 = tpu.vector_load %arg9[%get3A_77] {strides = array<i32>} : memref<6400xi32, #tpu.memory_space<vmem>>, vector<16xi32>,
      %get3A_79 = vector.shape_cast %get3A_78 : vector<16xi32> to vector<16xi32>
      %mul3A_80 = arith.constant 16 : i32
      %mul3A_81 = arith.muli %add3A_69, %mul3A_80 : i32
      %add3A_82 = vector.broadcast %mul3A_81 : i32 to vector<16xi32>
      %add3A_83 = arith.addi %add3A_82, %iota3A : vector<16xi32>
      %and3A = arith.constant 127 : i32
      %and3A_84 = vector.broadcast %and3A : i32 to vector<16xi32>
      %and3A_85 = arith.andi %add3A_83, %and3A_84 : vector<16xi32>
      %add3A_86 = arith.constant 100000 : i32
      %add3A_87 = vector.broadcast %add3A_86 : i32 to vector<16xi32>
      %add3A_88 = arith.addi %add3A_87, %and3A_85 : vector<16xi32>
      %gt3A = arith.constant 0 : i32
      %gt3A_89 = vector.broadcast %gt3A : i32 to vector<16xi32>
      %gt3A_90 = arith.cmpi sgt, %get3A_76, %gt3A_89 : vector<16xi32>
      %select_n3A = arith.select %gt3A_90, %get3A_73, %add3A_88 : vector<16xi1>, vector<16xi32>
      %gt3A_91 = arith.constant 0 : i32
      %gt3A_92 = vector.broadcast %gt3A_91 : i32 to vector<16xi32>
      %gt3A_93 = arith.cmpi sgt, %get3A_79, %gt3A_92 : vector<16xi32>
      %add3A_94 = arith.constant 100127 : i32
      %add3A_95 = vector.broadcast %add3A_94 : i32 to vector<16xi32>
      %add3A_96 = arith.addi %get3A_79, %add3A_95 : vector<16xi32>
      %select_n3A_97 = arith.select %gt3A_93, %add3A_96, %select_n3A : vector<16xi1>, vector<16xi32>
      %swap3A = arith.index_cast %mul3A_71 : i32 to index
      %swap3A_98 = tpu.vector_load %arg10[%swap3A] {strides = array<i32>} : memref<6400xi32, #tpu.memory_space<vmem>>, vector<16xi32>,
      %swap3A_99 = vector.shape_cast %swap3A_98 : vector<16xi32> to vector<16xi32>
      %swap3A_100 = vector.shape_cast %select_n3A_97 : vector<16xi32> to vector<16xi32>
      tpu.vector_store %arg10[%swap3A], %swap3A_100 {strides = array<i32>} : memref<6400xi32, #tpu.memory_space<vmem>>, vector<16xi32>,
    }
    %scan3A_6 = arith.constant 400 : i32
    %dma_start3A = arith.constant 0 : i32
    %dma_start3A_7 = tpu.memref_slice %arg10[%dma_start3A] : memref<6400xi32, #tpu.memory_space<vmem>> -> memref<128xi32, #tpu.memory_space<vmem>>
    %dma_start3A_8 = arith.constant 0 : i32
    %dma_start3A_9 = arith.constant 0 : i32
    %dma_start3A_10 = tpu.memref_slice %arg2[%dma_start3A_8, %dma_start3A_9] : memref<141088x128xf32, #tpu.memory_space<hbm>> -> memref<141088x128xf32, #tpu.memory_space<hbm>>
    tpu.enqueue_indirect_dma source(%dma_start3A_10 : memref<141088x128xf32, #tpu.memory_space<hbm>>) target(%arg11 : memref<128x128xf32, #tpu.memory_space<vmem>>) offsets(%dma_start3A_7 : memref<128xi32, #tpu.memory_space<vmem>>) semaphore(%arg16 : memref<!tpu.dma_semaphore, #tpu.memory_space<semaphore_mem>>)
    %dma_start3A_11 = arith.constant 128 : i32
    %dma_start3A_12 = tpu.memref_slice %arg10[%dma_start3A_11] : memref<6400xi32, #tpu.memory_space<vmem>> -> memref<128xi32, #tpu.memory_space<vmem>>
    %dma_start3A_13 = arith.constant 0 : i32
    %dma_start3A_14 = arith.constant 0 : i32
    %dma_start3A_15 = tpu.memref_slice %arg2[%dma_start3A_13, %dma_start3A_14] : memref<141088x128xf32, #tpu.memory_space<hbm>> -> memref<141088x128xf32, #tpu.memory_space<hbm>>
    tpu.enqueue_indirect_dma source(%dma_start3A_15 : memref<141088x128xf32, #tpu.memory_space<hbm>>) target(%arg12 : memref<128x128xf32, #tpu.memory_space<vmem>>) offsets(%dma_start3A_12 : memref<128xi32, #tpu.memory_space<vmem>>) semaphore(%arg17 : memref<!tpu.dma_semaphore, #tpu.memory_space<semaphore_mem>>)
    %dma_start3A_16 = arith.constant 256 : i32
    %dma_start3A_17 = tpu.memref_slice %arg10[%dma_start3A_16] : memref<6400xi32, #tpu.memory_space<vmem>> -> memref<128xi32, #tpu.memory_space<vmem>>
    %dma_start3A_18 = arith.constant 0 : i32
    %dma_start3A_19 = arith.constant 0 : i32
    %dma_start3A_20 = tpu.memref_slice %arg2[%dma_start3A_18, %dma_start3A_19] : memref<141088x128xf32, #tpu.memory_space<hbm>> -> memref<141088x128xf32, #tpu.memory_space<hbm>>
    tpu.enqueue_indirect_dma source(%dma_start3A_20 : memref<141088x128xf32, #tpu.memory_space<hbm>>) target(%arg13 : memref<128x128xf32, #tpu.memory_space<vmem>>) offsets(%dma_start3A_17 : memref<128xi32, #tpu.memory_space<vmem>>) semaphore(%arg18 : memref<!tpu.dma_semaphore, #tpu.memory_space<semaphore_mem>>)
    %dma_start3A_21 = arith.constant 384 : i32
    %dma_start3A_22 = tpu.memref_slice %arg10[%dma_start3A_21] : memref<6400xi32, #tpu.memory_space<vmem>> -> memref<128xi32, #tpu.memory_space<vmem>>
    %dma_start3A_23 = arith.constant 0 : i32
    %dma_start3A_24 = arith.constant 0 : i32
    %dma_start3A_25 = tpu.memref_slice %arg2[%dma_start3A_23, %dma_start3A_24] : memref<141088x128xf32, #tpu.memory_space<hbm>> -> memref<141088x128xf32, #tpu.memory_space<hbm>>
    tpu.enqueue_indirect_dma source(%dma_start3A_25 : memref<141088x128xf32, #tpu.memory_space<hbm>>) target(%arg14 : memref<128x128xf32, #tpu.memory_space<vmem>>) offsets(%dma_start3A_22 : memref<128xi32, #tpu.memory_space<vmem>>) semaphore(%arg19 : memref<!tpu.dma_semaphore, #tpu.memory_space<semaphore_mem>>)
    %dma_start3A_26 = arith.constant 512 : i32
    %dma_start3A_27 = tpu.memref_slice %arg10[%dma_start3A_26] : memref<6400xi32, #tpu.memory_space<vmem>> -> memref<128xi32, #tpu.memory_space<vmem>>
    %dma_start3A_28 = arith.constant 0 : i32
    %dma_start3A_29 = arith.constant 0 : i32
    %dma_start3A_30 = tpu.memref_slice %arg2[%dma_start3A_28, %dma_start3A_29] : memref<141088x128xf32, #tpu.memory_space<hbm>> -> memref<141088x128xf32, #tpu.memory_space<hbm>>
    tpu.enqueue_indirect_dma source(%dma_start3A_30 : memref<141088x128xf32, #tpu.memory_space<hbm>>) target(%arg15 : memref<128x128xf32, #tpu.memory_space<vmem>>) offsets(%dma_start3A_27 : memref<128xi32, #tpu.memory_space<vmem>>) semaphore(%arg20 : memref<!tpu.dma_semaphore, #tpu.memory_space<semaphore_mem>>)
    %scan3A_31 = arith.constant 0 : i32
    %scan3A_32 = arith.constant 10 : i32
    %scan3A_33 = arith.addi %scan3A_31, %scan3A_32 : i32
    %scan3A_34 = arith.constant 1 : i32
    scf.for %scan3A_65 = %scan3A_31 to %scan3A_33 step %scan3A_34  : i32 {
      %mul3A_66 = arith.constant 5 : i32
      %mul3A_67 = arith.muli %scan3A_65, %mul3A_66 : i32
      %add3A_68 = arith.constant 0 : i32
      %add3A_69 = arith.addi %add3A_68, %mul3A_67 : i32
      %add3A_70 = arith.constant 0 : i32
      %add3A_71 = arith.addi %add3A_69, %add3A_70 : i32
      %mul3A_72 = arith.constant 128 : i32
      %mul3A_73 = arith.muli %add3A_71, %mul3A_72 : i32
      %dma_wait3A_74 = tpu.memref_slice %arg10[%mul3A_73] : memref<6400xi32, #tpu.memory_space<vmem>> -> memref<128xi32, #tpu.memory_space<vmem>>
      %dma_wait3A_75 = arith.constant 0 : i32
      %dma_wait3A_76 = arith.constant 0 : i32
      %dma_wait3A_77 = tpu.memref_slice %arg2[%dma_wait3A_75, %dma_wait3A_76] : memref<141088x128xf32, #tpu.memory_space<hbm>> -> memref<141088x128xf32, #tpu.memory_space<hbm>>
      tpu.wait_indirect_dma semaphore(%arg16 : memref<!tpu.dma_semaphore, #tpu.memory_space<semaphore_mem>>) src(%dma_wait3A_77 : memref<141088x128xf32, #tpu.memory_space<hbm>>) dst(%arg11 : memref<128x128xf32, #tpu.memory_space<vmem>>)
      %mul3A_78 = arith.constant 128 : i32
      %mul3A_79 = arith.muli %add3A_71, %mul3A_78 : i32
      %add3A_80 = arith.addi %mul3A_2, %mul3A_79 : i32
      %dma_start3A_81 = arith.constant 0 : i32
      %dma_start3A_82 = tpu.memref_slice %arg6[%add3A_80, %dma_start3A_81] : memref<204800x128xf32, #tpu.memory_space<hbm>> -> memref<128x128xf32, #tpu.memory_space<hbm>>
      %dma_start3A_83 = arith.constant 0 : i32
      %dma_start3A_84 = tpu.memref_slice %arg6[%add3A_80, %dma_start3A_83] : memref<204800x128xf32, #tpu.memory_space<hbm>> -> memref<128x128xf32, #tpu.memory_space<hbm>>
      tpu.enqueue_dma source(%arg11 : memref<128x128xf32, #tpu.memory_space<vmem>>) target(%dma_start3A_84 : memref<128x128xf32, #tpu.memory_space<hbm>>) target_semaphore(%arg21 : memref<!tpu.dma_semaphore, #tpu.memory_space<semaphore_mem>>)
      %add3A_85 = arith.constant 5 : i32
      %add3A_86 = arith.addi %add3A_71, %add3A_85 : i32
      %lt3A = arith.constant 50 : i32
      %lt3A_87 = arith.cmpi slt, %add3A_86, %lt3A : i32
      %convert_element_type3A = arith.extui %lt3A_87 : i1 to i32
      %cond3A = arith.constant 0 : i32
      %cond3A_88 = arith.cmpi ne, %convert_element_type3A, %cond3A : i32
      scf.if %cond3A_88 {
        %mul3A_177 = arith.constant 128 : i32
        %mul3A_178 = arith.muli %add3A_71, %mul3A_177 : i32
        %add3A_179 = arith.addi %mul3A_2, %mul3A_178 : i32
        %dma_wait3A_180 = arith.constant 0 : i32
        %dma_wait3A_181 = tpu.memref_slice %arg6[%add3A_179, %dma_wait3A_180] : memref<204800x128xf32, #tpu.memory_space<hbm>> -> memref<128x128xf32, #tpu.memory_space<hbm>>
        %dma_wait3A_182 = arith.constant 0 : i32
        %dma_wait3A_183 = tpu.memref_slice %arg6[%add3A_179, %dma_wait3A_182] : memref<204800x128xf32, #tpu.memory_space<hbm>> -> memref<128x128xf32, #tpu.memory_space<hbm>>
        tpu.wait_dma2 semaphore(%arg21 : memref<!tpu.dma_semaphore, #tpu.memory_space<semaphore_mem>>) src(%arg11 : memref<128x128xf32, #tpu.memory_space<vmem>>) dst(%dma_wait3A_183 : memref<128x128xf32, #tpu.memory_space<hbm>>)
        %add3A_184 = arith.constant 5 : i32
        %add3A_185 = arith.addi %add3A_71, %add3A_184 : i32
        %mul3A_186 = arith.constant 128 : i32
        %mul3A_187 = arith.muli %add3A_185, %mul3A_186 : i32
        %dma_start3A_188 = tpu.memref_slice %arg10[%mul3A_187] : memref<6400xi32, #tpu.memory_space<vmem>> -> memref<128xi32, #tpu.memory_space<vmem>>
        %dma_start3A_189 = arith.constant 0 : i32
        %dma_start3A_190 = arith.constant 0 : i32
        %dma_start3A_191 = tpu.memref_slice %arg2[%dma_start3A_189, %dma_start3A_190] : memref<141088x128xf32, #tpu.memory_space<hbm>> -> memref<141088x128xf32, #tpu.memory_space<hbm>>
        tpu.enqueue_indirect_dma source(%dma_start3A_191 : memref<141088x128xf32, #tpu.memory_space<hbm>>) target(%arg11 : memref<128x128xf32, #tpu.memory_space<vmem>>) offsets(%dma_start3A_188 : memref<128xi32, #tpu.memory_space<vmem>>) semaphore(%arg16 : memref<!tpu.dma_semaphore, #tpu.memory_space<semaphore_mem>>)
      } else {
      }
      %add3A_89 = arith.constant 1 : i32
      %add3A_90 = arith.addi %add3A_69, %add3A_89 : i32
      %mul3A_91 = arith.constant 128 : i32
      %mul3A_92 = arith.muli %add3A_90, %mul3A_91 : i32
      %dma_wait3A_93 = tpu.memref_slice %arg10[%mul3A_92] : memref<6400xi32, #tpu.memory_space<vmem>> -> memref<128xi32, #tpu.memory_space<vmem>>
      %dma_wait3A_94 = arith.constant 0 : i32
      %dma_wait3A_95 = arith.constant 0 : i32
      %dma_wait3A_96 = tpu.memref_slice %arg2[%dma_wait3A_94, %dma_wait3A_95] : memref<141088x128xf32, #tpu.memory_space<hbm>> -> memref<141088x128xf32, #tpu.memory_space<hbm>>
      tpu.wait_indirect_dma semaphore(%arg17 : memref<!tpu.dma_semaphore, #tpu.memory_space<semaphore_mem>>) src(%dma_wait3A_96 : memref<141088x128xf32, #tpu.memory_space<hbm>>) dst(%arg12 : memref<128x128xf32, #tpu.memory_space<vmem>>)
      %mul3A_97 = arith.constant 128 : i32
      %mul3A_98 = arith.muli %add3A_90, %mul3A_97 : i32
      %add3A_99 = arith.addi %mul3A_2, %mul3A_98 : i32
      %dma_start3A_100 = arith.constant 0 : i32
      %dma_start3A_101 = tpu.memref_slice %arg6[%add3A_99, %dma_start3A_100] : memref<204800x128xf32, #tpu.memory_space<hbm>> -> memref<128x128xf32, #tpu.memory_space<hbm>>
      %dma_start3A_102 = arith.constant 0 : i32
      %dma_start3A_103 = tpu.memref_slice %arg6[%add3A_99, %dma_start3A_102] : memref<204800x128xf32, #tpu.memory_space<hbm>> -> memref<128x128xf32, #tpu.memory_space<hbm>>
      tpu.enqueue_dma source(%arg12 : memref<128x128xf32, #tpu.memory_space<vmem>>) target(%dma_start3A_103 : memref<128x128xf32, #tpu.memory_space<hbm>>) target_semaphore(%arg22 : memref<!tpu.dma_semaphore, #tpu.memory_space<semaphore_mem>>)
      %add3A_104 = arith.constant 5 : i32
      %add3A_105 = arith.addi %add3A_90, %add3A_104 : i32
      %lt3A_106 = arith.constant 50 : i32
      %lt3A_107 = arith.cmpi slt, %add3A_105, %lt3A_106 : i32
      %convert_element_type3A_108 = arith.extui %lt3A_107 : i1 to i32
      %cond3A_109 = arith.constant 0 : i32
      %cond3A_110 = arith.cmpi ne, %convert_element_type3A_108, %cond3A_109 : i32
      scf.if %cond3A_110 {
        %mul3A_177 = arith.constant 128 : i32
        %mul3A_178 = arith.muli %add3A_90, %mul3A_177 : i32
        %add3A_179 = arith.addi %mul3A_2, %mul3A_178 : i32
        %dma_wait3A_180 = arith.constant 0 : i32
        %dma_wait3A_181 = tpu.memref_slice %arg6[%add3A_179, %dma_wait3A_180] : memref<204800x128xf32, #tpu.memory_space<hbm>> -> memref<128x128xf32, #tpu.memory_space<hbm>>
        %dma_wait3A_182 = arith.constant 0 : i32
        %dma_wait3A_183 = tpu.memref_slice %arg6[%add3A_179, %dma_wait3A_182] : memref<204800x128xf32, #tpu.memory_space<hbm>> -> memref<128x128xf32, #tpu.memory_space<hbm>>
        tpu.wait_dma2 semaphore(%arg22 : memref<!tpu.dma_semaphore, #tpu.memory_space<semaphore_mem>>) src(%arg12 : memref<128x128xf32, #tpu.memory_space<vmem>>) dst(%dma_wait3A_183 : memref<128x128xf32, #tpu.memory_space<hbm>>)
        %add3A_184 = arith.constant 5 : i32
        %add3A_185 = arith.addi %add3A_90, %add3A_184 : i32
        %mul3A_186 = arith.constant 128 : i32
        %mul3A_187 = arith.muli %add3A_185, %mul3A_186 : i32
        %dma_start3A_188 = tpu.memref_slice %arg10[%mul3A_187] : memref<6400xi32, #tpu.memory_space<vmem>> -> memref<128xi32, #tpu.memory_space<vmem>>
        %dma_start3A_189 = arith.constant 0 : i32
        %dma_start3A_190 = arith.constant 0 : i32
        %dma_start3A_191 = tpu.memref_slice %arg2[%dma_start3A_189, %dma_start3A_190] : memref<141088x128xf32, #tpu.memory_space<hbm>> -> memref<141088x128xf32, #tpu.memory_space<hbm>>
        tpu.enqueue_indirect_dma source(%dma_start3A_191 : memref<141088x128xf32, #tpu.memory_space<hbm>>) target(%arg12 : memref<128x128xf32, #tpu.memory_space<vmem>>) offsets(%dma_start3A_188 : memref<128xi32, #tpu.memory_space<vmem>>) semaphore(%arg17 : memref<!tpu.dma_semaphore, #tpu.memory_space<semaphore_mem>>)
      } else {
      }
      %add3A_111 = arith.constant 2 : i32
      %add3A_112 = arith.addi %add3A_69, %add3A_111 : i32
      %mul3A_113 = arith.constant 128 : i32
      %mul3A_114 = arith.muli %add3A_112, %mul3A_113 : i32
      %dma_wait3A_115 = tpu.memref_slice %arg10[%mul3A_114] : memref<6400xi32, #tpu.memory_space<vmem>> -> memref<128xi32, #tpu.memory_space<vmem>>
      %dma_wait3A_116 = arith.constant 0 : i32
      %dma_wait3A_117 = arith.constant 0 : i32
      %dma_wait3A_118 = tpu.memref_slice %arg2[%dma_wait3A_116, %dma_wait3A_117] : memref<141088x128xf32, #tpu.memory_space<hbm>> -> memref<141088x128xf32, #tpu.memory_space<hbm>>
      tpu.wait_indirect_dma semaphore(%arg18 : memref<!tpu.dma_semaphore, #tpu.memory_space<semaphore_mem>>) src(%dma_wait3A_118 : memref<141088x128xf32, #tpu.memory_space<hbm>>) dst(%arg13 : memref<128x128xf32, #tpu.memory_space<vmem>>)
      %mul3A_119 = arith.constant 128 : i32
      %mul3A_120 = arith.muli %add3A_112, %mul3A_119 : i32
      %add3A_121 = arith.addi %mul3A_2, %mul3A_120 : i32
      %dma_start3A_122 = arith.constant 0 : i32
      %dma_start3A_123 = tpu.memref_slice %arg6[%add3A_121, %dma_start3A_122] : memref<204800x128xf32, #tpu.memory_space<hbm>> -> memref<128x128xf32, #tpu.memory_space<hbm>>
      %dma_start3A_124 = arith.constant 0 : i32
      %dma_start3A_125 = tpu.memref_slice %arg6[%add3A_121, %dma_start3A_124] : memref<204800x128xf32, #tpu.memory_space<hbm>> -> memref<128x128xf32, #tpu.memory_space<hbm>>
      tpu.enqueue_dma source(%arg13 : memref<128x128xf32, #tpu.memory_space<vmem>>) target(%dma_start3A_125 : memref<128x128xf32, #tpu.memory_space<hbm>>) target_semaphore(%arg23 : memref<!tpu.dma_semaphore, #tpu.memory_space<semaphore_mem>>)
      %add3A_126 = arith.constant 5 : i32
      %add3A_127 = arith.addi %add3A_112, %add3A_126 : i32
      %lt3A_128 = arith.constant 50 : i32
      %lt3A_129 = arith.cmpi slt, %add3A_127, %lt3A_128 : i32
      %convert_element_type3A_130 = arith.extui %lt3A_129 : i1 to i32
      %cond3A_131 = arith.constant 0 : i32
      %cond3A_132 = arith.cmpi ne, %convert_element_type3A_130, %cond3A_131 : i32
      scf.if %cond3A_132 {
        %mul3A_177 = arith.constant 128 : i32
        %mul3A_178 = arith.muli %add3A_112, %mul3A_177 : i32
        %add3A_179 = arith.addi %mul3A_2, %mul3A_178 : i32
        %dma_wait3A_180 = arith.constant 0 : i32
        %dma_wait3A_181 = tpu.memref_slice %arg6[%add3A_179, %dma_wait3A_180] : memref<204800x128xf32, #tpu.memory_space<hbm>> -> memref<128x128xf32, #tpu.memory_space<hbm>>
        %dma_wait3A_182 = arith.constant 0 : i32
        %dma_wait3A_183 = tpu.memref_slice %arg6[%add3A_179, %dma_wait3A_182] : memref<204800x128xf32, #tpu.memory_space<hbm>> -> memref<128x128xf32, #tpu.memory_space<hbm>>
        tpu.wait_dma2 semaphore(%arg23 : memref<!tpu.dma_semaphore, #tpu.memory_space<semaphore_mem>>) src(%arg13 : memref<128x128xf32, #tpu.memory_space<vmem>>) dst(%dma_wait3A_183 : memref<128x128xf32, #tpu.memory_space<hbm>>)
        %add3A_184 = arith.constant 5 : i32
        %add3A_185 = arith.addi %add3A_112, %add3A_184 : i32
        %mul3A_186 = arith.constant 128 : i32
        %mul3A_187 = arith.muli %add3A_185, %mul3A_186 : i32
        %dma_start3A_188 = tpu.memref_slice %arg10[%mul3A_187] : memref<6400xi32, #tpu.memory_space<vmem>> -> memref<128xi32, #tpu.memory_space<vmem>>
        %dma_start3A_189 = arith.constant 0 : i32
        %dma_start3A_190 = arith.constant 0 : i32
        %dma_start3A_191 = tpu.memref_slice %arg2[%dma_start3A_189, %dma_start3A_190] : memref<141088x128xf32, #tpu.memory_space<hbm>> -> memref<141088x128xf32, #tpu.memory_space<hbm>>
        tpu.enqueue_indirect_dma source(%dma_start3A_191 : memref<141088x128xf32, #tpu.memory_space<hbm>>) target(%arg13 : memref<128x128xf32, #tpu.memory_space<vmem>>) offsets(%dma_start3A_188 : memref<128xi32, #tpu.memory_space<vmem>>) semaphore(%arg18 : memref<!tpu.dma_semaphore, #tpu.memory_space<semaphore_mem>>)
      } else {
      }
      %add3A_133 = arith.constant 3 : i32
      %add3A_134 = arith.addi %add3A_69, %add3A_133 : i32
      %mul3A_135 = arith.constant 128 : i32
      %mul3A_136 = arith.muli %add3A_134, %mul3A_135 : i32
      %dma_wait3A_137 = tpu.memref_slice %arg10[%mul3A_136] : memref<6400xi32, #tpu.memory_space<vmem>> -> memref<128xi32, #tpu.memory_space<vmem>>
      %dma_wait3A_138 = arith.constant 0 : i32
      %dma_wait3A_139 = arith.constant 0 : i32
      %dma_wait3A_140 = tpu.memref_slice %arg2[%dma_wait3A_138, %dma_wait3A_139] : memref<141088x128xf32, #tpu.memory_space<hbm>> -> memref<141088x128xf32, #tpu.memory_space<hbm>>
      tpu.wait_indirect_dma semaphore(%arg19 : memref<!tpu.dma_semaphore, #tpu.memory_space<semaphore_mem>>) src(%dma_wait3A_140 : memref<141088x128xf32, #tpu.memory_space<hbm>>) dst(%arg14 : memref<128x128xf32, #tpu.memory_space<vmem>>)
      %mul3A_141 = arith.constant 128 : i32
      %mul3A_142 = arith.muli %add3A_134, %mul3A_141 : i32
      %add3A_143 = arith.addi %mul3A_2, %mul3A_142 : i32
      %dma_start3A_144 = arith.constant 0 : i32
      %dma_start3A_145 = tpu.memref_slice %arg6[%add3A_143, %dma_start3A_144] : memref<204800x128xf32, #tpu.memory_space<hbm>> -> memref<128x128xf32, #tpu.memory_space<hbm>>
      %dma_start3A_146 = arith.constant 0 : i32
      %dma_start3A_147 = tpu.memref_slice %arg6[%add3A_143, %dma_start3A_146] : memref<204800x128xf32, #tpu.memory_space<hbm>> -> memref<128x128xf32, #tpu.memory_space<hbm>>
      tpu.enqueue_dma source(%arg14 : memref<128x128xf32, #tpu.memory_space<vmem>>) target(%dma_start3A_147 : memref<128x128xf32, #tpu.memory_space<hbm>>) target_semaphore(%arg24 : memref<!tpu.dma_semaphore, #tpu.memory_space<semaphore_mem>>)
      %add3A_148 = arith.constant 5 : i32
      %add3A_149 = arith.addi %add3A_134, %add3A_148 : i32
      %lt3A_150 = arith.constant 50 : i32
      %lt3A_151 = arith.cmpi slt, %add3A_149, %lt3A_150 : i32
      %convert_element_type3A_152 = arith.extui %lt3A_151 : i1 to i32
      %cond3A_153 = arith.constant 0 : i32
      %cond3A_154 = arith.cmpi ne, %convert_element_type3A_152, %cond3A_153 : i32
      scf.if %cond3A_154 {
        %mul3A_177 = arith.constant 128 : i32
        %mul3A_178 = arith.muli %add3A_134, %mul3A_177 : i32
        %add3A_179 = arith.addi %mul3A_2, %mul3A_178 : i32
        %dma_wait3A_180 = arith.constant 0 : i32
        %dma_wait3A_181 = tpu.memref_slice %arg6[%add3A_179, %dma_wait3A_180] : memref<204800x128xf32, #tpu.memory_space<hbm>> -> memref<128x128xf32, #tpu.memory_space<hbm>>
        %dma_wait3A_182 = arith.constant 0 : i32
        %dma_wait3A_183 = tpu.memref_slice %arg6[%add3A_179, %dma_wait3A_182] : memref<204800x128xf32, #tpu.memory_space<hbm>> -> memref<128x128xf32, #tpu.memory_space<hbm>>
        tpu.wait_dma2 semaphore(%arg24 : memref<!tpu.dma_semaphore, #tpu.memory_space<semaphore_mem>>) src(%arg14 : memref<128x128xf32, #tpu.memory_space<vmem>>) dst(%dma_wait3A_183 : memref<128x128xf32, #tpu.memory_space<hbm>>)
        %add3A_184 = arith.constant 5 : i32
        %add3A_185 = arith.addi %add3A_134, %add3A_184 : i32
        %mul3A_186 = arith.constant 128 : i32
        %mul3A_187 = arith.muli %add3A_185, %mul3A_186 : i32
        %dma_start3A_188 = tpu.memref_slice %arg10[%mul3A_187] : memref<6400xi32, #tpu.memory_space<vmem>> -> memref<128xi32, #tpu.memory_space<vmem>>
        %dma_start3A_189 = arith.constant 0 : i32
        %dma_start3A_190 = arith.constant 0 : i32
        %dma_start3A_191 = tpu.memref_slice %arg2[%dma_start3A_189, %dma_start3A_190] : memref<141088x128xf32, #tpu.memory_space<hbm>> -> memref<141088x128xf32, #tpu.memory_space<hbm>>
        tpu.enqueue_indirect_dma source(%dma_start3A_191 : memref<141088x128xf32, #tpu.memory_space<hbm>>) target(%arg14 : memref<128x128xf32, #tpu.memory_space<vmem>>) offsets(%dma_start3A_188 : memref<128xi32, #tpu.memory_space<vmem>>) semaphore(%arg19 : memref<!tpu.dma_semaphore, #tpu.memory_space<semaphore_mem>>)
      } else {
      }
      %add3A_155 = arith.constant 4 : i32
      %add3A_156 = arith.addi %add3A_69, %add3A_155 : i32
      %mul3A_157 = arith.constant 128 : i32
      %mul3A_158 = arith.muli %add3A_156, %mul3A_157 : i32
      %dma_wait3A_159 = tpu.memref_slice %arg10[%mul3A_158] : memref<6400xi32, #tpu.memory_space<vmem>> -> memref<128xi32, #tpu.memory_space<vmem>>
      %dma_wait3A_160 = arith.constant 0 : i32
      %dma_wait3A_161 = arith.constant 0 : i32
      %dma_wait3A_162 = tpu.memref_slice %arg2[%dma_wait3A_160, %dma_wait3A_161] : memref<141088x128xf32, #tpu.memory_space<hbm>> -> memref<141088x128xf32, #tpu.memory_space<hbm>>
      tpu.wait_indirect_dma semaphore(%arg20 : memref<!tpu.dma_semaphore, #tpu.memory_space<semaphore_mem>>) src(%dma_wait3A_162 : memref<141088x128xf32, #tpu.memory_space<hbm>>) dst(%arg15 : memref<128x128xf32, #tpu.memory_space<vmem>>)
      %mul3A_163 = arith.constant 128 : i32
      %mul3A_164 = arith.muli %add3A_156, %mul3A_163 : i32
      %add3A_165 = arith.addi %mul3A_2, %mul3A_164 : i32
      %dma_start3A_166 = arith.constant 0 : i32
      %dma_start3A_167 = tpu.memref_slice %arg6[%add3A_165, %dma_start3A_166] : memref<204800x128xf32, #tpu.memory_space<hbm>> -> memref<128x128xf32, #tpu.memory_space<hbm>>
      %dma_start3A_168 = arith.constant 0 : i32
      %dma_start3A_169 = tpu.memref_slice %arg6[%add3A_165, %dma_start3A_168] : memref<204800x128xf32, #tpu.memory_space<hbm>> -> memref<128x128xf32, #tpu.memory_space<hbm>>
      tpu.enqueue_dma source(%arg15 : memref<128x128xf32, #tpu.memory_space<vmem>>) target(%dma_start3A_169 : memref<128x128xf32, #tpu.memory_space<hbm>>) target_semaphore(%arg25 : memref<!tpu.dma_semaphore, #tpu.memory_space<semaphore_mem>>)
      %add3A_170 = arith.constant 5 : i32
      %add3A_171 = arith.addi %add3A_156, %add3A_170 : i32
      %lt3A_172 = arith.constant 50 : i32
      %lt3A_173 = arith.cmpi slt, %add3A_171, %lt3A_172 : i32
      %convert_element_type3A_174 = arith.extui %lt3A_173 : i1 to i32
      %cond3A_175 = arith.constant 0 : i32
      %cond3A_176 = arith.cmpi ne, %convert_element_type3A_174, %cond3A_175 : i32
      scf.if %cond3A_176 {
        %mul3A_177 = arith.constant 128 : i32
        %mul3A_178 = arith.muli %add3A_156, %mul3A_177 : i32
        %add3A_179 = arith.addi %mul3A_2, %mul3A_178 : i32
        %dma_wait3A_180 = arith.constant 0 : i32
        %dma_wait3A_181 = tpu.memref_slice %arg6[%add3A_179, %dma_wait3A_180] : memref<204800x128xf32, #tpu.memory_space<hbm>> -> memref<128x128xf32, #tpu.memory_space<hbm>>
        %dma_wait3A_182 = arith.constant 0 : i32
        %dma_wait3A_183 = tpu.memref_slice %arg6[%add3A_179, %dma_wait3A_182] : memref<204800x128xf32, #tpu.memory_space<hbm>> -> memref<128x128xf32, #tpu.memory_space<hbm>>
        tpu.wait_dma2 semaphore(%arg25 : memref<!tpu.dma_semaphore, #tpu.memory_space<semaphore_mem>>) src(%arg15 : memref<128x128xf32, #tpu.memory_space<vmem>>) dst(%dma_wait3A_183 : memref<128x128xf32, #tpu.memory_space<hbm>>)
        %add3A_184 = arith.constant 5 : i32
        %add3A_185 = arith.addi %add3A_156, %add3A_184 : i32
        %mul3A_186 = arith.constant 128 : i32
        %mul3A_187 = arith.muli %add3A_185, %mul3A_186 : i32
        %dma_start3A_188 = tpu.memref_slice %arg10[%mul3A_187] : memref<6400xi32, #tpu.memory_space<vmem>> -> memref<128xi32, #tpu.memory_space<vmem>>
        %dma_start3A_189 = arith.constant 0 : i32
        %dma_start3A_190 = arith.constant 0 : i32
        %dma_start3A_191 = tpu.memref_slice %arg2[%dma_start3A_189, %dma_start3A_190] : memref<141088x128xf32, #tpu.memory_space<hbm>> -> memref<141088x128xf32, #tpu.memory_space<hbm>>
        tpu.enqueue_indirect_dma source(%dma_start3A_191 : memref<141088x128xf32, #tpu.memory_space<hbm>>) target(%arg15 : memref<128x128xf32, #tpu.memory_space<vmem>>) offsets(%dma_start3A_188 : memref<128xi32, #tpu.memory_space<vmem>>) semaphore(%arg20 : memref<!tpu.dma_semaphore, #tpu.memory_space<semaphore_mem>>)
      } else {
      }
    }
    %scan3A_35 = arith.constant 10 : i32
    %add3A_36 = arith.constant 5760 : i32
    %add3A_37 = arith.addi %mul3A_2, %add3A_36 : i32
    %dma_wait3A = arith.constant 0 : i32
    %dma_wait3A_38 = tpu.memref_slice %arg6[%add3A_37, %dma_wait3A] : memref<204800x128xf32, #tpu.memory_space<hbm>> -> memref<128x128xf32, #tpu.memory_space<hbm>>
    %dma_wait3A_39 = arith.constant 0 : i32
    %dma_wait3A_40 = tpu.memref_slice %arg6[%add3A_37, %dma_wait3A_39] : memref<204800x128xf32, #tpu.memory_space<hbm>> -> memref<128x128xf32, #tpu.memory_space<hbm>>
    tpu.wait_dma2 semaphore(%arg21 : memref<!tpu.dma_semaphore, #tpu.memory_space<semaphore_mem>>) src(%arg11 : memref<128x128xf32, #tpu.memory_space<vmem>>) dst(%dma_wait3A_40 : memref<128x128xf32, #tpu.memory_space<hbm>>)
    %add3A_41 = arith.constant 5888 : i32
    %add3A_42 = arith.addi %mul3A_2, %add3A_41 : i32
    %dma_wait3A_43 = arith.constant 0 : i32
    %dma_wait3A_44 = tpu.memref_slice %arg6[%add3A_42, %dma_wait3A_43] : memref<204800x128xf32, #tpu.memory_space<hbm>> -> memref<128x128xf32, #tpu.memory_space<hbm>>
    %dma_wait3A_45 = arith.constant 0 : i32
    %dma_wait3A_46 = tpu.memref_slice %arg6[%add3A_42, %dma_wait3A_45] : memref<204800x128xf32, #tpu.memory_space<hbm>> -> memref<128x128xf32, #tpu.memory_space<hbm>>
    tpu.wait_dma2 semaphore(%arg22 : memref<!tpu.dma_semaphore, #tpu.memory_space<semaphore_mem>>) src(%arg12 : memref<128x128xf32, #tpu.memory_space<vmem>>) dst(%dma_wait3A_46 : memref<128x128xf32, #tpu.memory_space<hbm>>)
    %add3A_47 = arith.constant 6016 : i32
    %add3A_48 = arith.addi %mul3A_2, %add3A_47 : i32
    %dma_wait3A_49 = arith.constant 0 : i32
    %dma_wait3A_50 = tpu.memref_slice %arg6[%add3A_48, %dma_wait3A_49] : memref<204800x128xf32, #tpu.memory_space<hbm>> -> memref<128x128xf32, #tpu.memory_space<hbm>>
    %dma_wait3A_51 = arith.constant 0 : i32
    %dma_wait3A_52 = tpu.memref_slice %arg6[%add3A_48, %dma_wait3A_51] : memref<204800x128xf32, #tpu.memory_space<hbm>> -> memref<128x128xf32, #tpu.memory_space<hbm>>
    tpu.wait_dma2 semaphore(%arg23 : memref<!tpu.dma_semaphore, #tpu.memory_space<semaphore_mem>>) src(%arg13 : memref<128x128xf32, #tpu.memory_space<vmem>>) dst(%dma_wait3A_52 : memref<128x128xf32, #tpu.memory_space<hbm>>)
    %add3A_53 = arith.constant 6144 : i32
    %add3A_54 = arith.addi %mul3A_2, %add3A_53 : i32
    %dma_wait3A_55 = arith.constant 0 : i32
    %dma_wait3A_56 = tpu.memref_slice %arg6[%add3A_54, %dma_wait3A_55] : memref<204800x128xf32, #tpu.memory_space<hbm>> -> memref<128x128xf32, #tpu.memory_space<hbm>>
    %dma_wait3A_57 = arith.constant 0 : i32
    %dma_wait3A_58 = tpu.memref_slice %arg6[%add3A_54, %dma_wait3A_57] : memref<204800x128xf32, #tpu.memory_space<hbm>> -> memref<128x128xf32, #tpu.memory_space<hbm>>
    tpu.wait_dma2 semaphore(%arg24 : memref<!tpu.dma_semaphore, #tpu.memory_space<semaphore_mem>>) src(%arg14 : memref<128x128xf32, #tpu.memory_space<vmem>>) dst(%dma_wait3A_58 : memref<128x128xf32, #tpu.memory_space<hbm>>)
    %add3A_59 = arith.constant 6272 : i32
    %add3A_60 = arith.addi %mul3A_2, %add3A_59 : i32
    %dma_wait3A_61 = arith.constant 0 : i32
    %dma_wait3A_62 = tpu.memref_slice %arg6[%add3A_60, %dma_wait3A_61] : memref<204800x128xf32, #tpu.memory_space<hbm>> -> memref<128x128xf32, #tpu.memory_space<hbm>>
    %dma_wait3A_63 = arith.constant 0 : i32
    %dma_wait3A_64 = tpu.memref_slice %arg6[%add3A_60, %dma_wait3A_63] : memref<204800x128xf32, #tpu.memory_space<hbm>> -> memref<128x128xf32, #tpu.memory_space<hbm>>
    tpu.wait_dma2 semaphore(%arg25 : memref<!tpu.dma_semaphore, #tpu.memory_space<semaphore_mem>>) src(%arg15 : memref<128x128xf32, #tpu.memory_space<vmem>>) dst(%dma_wait3A_64 : memref<128x128xf32, #tpu.memory_space<hbm>>)
    return
  }
}

module attributes {stable_mosaic.version = 14 : i64} {
  func.func @body(%arg0: memref<1024x1xi32, #tpu.memory_space<vmem>>, %arg1: memref<1024x200xf32, #tpu.memory_space<vmem>>) attributes {dimension_semantics = [], scalar_prefetch = 0 : i64, scratch_operands = 0 : i64, tpu.core_type = #tpu.core_type<tc>} {
    %iota3A = tpu.iota {dimensions = array<i32: 1>} : vector<1024x200xi32>
    %get3A = arith.constant 0 : index
    %get3A_0 = arith.constant 0 : index
    %get3A_1 = vector.load %arg0[%get3A, %get3A_0] : memref<1024x1xi32, #tpu.memory_space<vmem>>, vector<1024x1xi32>
    %lt3A = vector.broadcast %get3A_1 : vector<1024x1xi32> to vector<1024x200xi32>
    %lt3A_2 = arith.cmpi slt, %iota3A, %lt3A : vector<1024x200xi32>
    %convert_element_type3A = arith.extui %lt3A_2 : vector<1024x200xi1> to vector<1024x200xi32>
    %convert_element_type3A_3 = arith.sitofp %convert_element_type3A : vector<1024x200xi32> to vector<1024x200xf32>
    %swap3A = arith.constant 0 : index
    %swap3A_4 = arith.constant 0 : index
    %swap3A_5 = vector.load %arg1[%swap3A, %swap3A_4] : memref<1024x200xf32, #tpu.memory_space<vmem>>, vector<1024x200xf32>
    tpu.vector_store %arg1[%swap3A, %swap3A_4], %convert_element_type3A_3 {strides = array<i32>} : memref<1024x200xf32, #tpu.memory_space<vmem>>, vector<1024x200xf32>,
    return
  }
}

</mosaic_0001>

<sc_bundles>
// kernel: kernel.4.cloned.1.call-start
scs
__scs_entry_jumppad:
0x0: {  	(pc) =	sbr.rel $0x88, $3  }
0x1: {  	(tag) =	ssettag $0x0;
	lr =	simm.s32 $0x1  }
0x2: {  	[smem:$0x3F9A] =	sst lr;
	_ =	strace $0xD0000000  }
0x3: {  	_ = 	snop  }
0x4: {  	_ = 	snop  }
0x5: {  	_ = 	snop  }
0x6: {  	_ = 	snop  }
0x7: {  	_ = 	snop  }
__scs_overlays_trampoline_lowered:
0x8: {  	[smem:$0x3FA9] =	sst s0  }
0x9: {  	[smem:$0x3FAA] =	sst s1  }
0xa: {  	[smem:$0x3FAB] =	sst s2  }
0xb: {  	[smem:$0x3FAC] =	sst s3  }
0xc: {  	[smem:$0x3FAD] =	sst s4  }
0xd: {  	[smem:$0x3FAE] =	sst s5  }
0xe: {  	[smem:$0x3FAF] =	sst s6  }
0xf: {  	[smem:$0x3FB0] =	sst s7  }
0x10: {  	[smem:$0x3FB1] =	sst s8  }
0x11: {  	[smem:$0x3FB2] =	sst s9;
	s0 =	simm.s32 @!p0 $0x0  }
0x12: {  	s1 =	sld [smem:$0x3F98];
	s0 =	simm.s32 @p0 $0x1  }
0x13: {  	[smem:$0x3FB3] =	sst s0;
	s0 =	simm.s32 @!p1 $0x0  }
0x14: {  	s2 =	sld [smem:$0x3F97];
	s0 =	simm.s32 @p1 $0x1  }
0x15: {  	[smem:$0x3FB4] =	sst s0;
	s0 =	simm.s32 @!p2 $0x0  }
0x16: {  	s3 =	sld [smem:$0x3FDB];
	s0 =	simm.s32 @p2 $0x1  }
0x17: {  	s4 =	simm.s32 $0x1BF5;
	[smem:$0x3FB6] =	sst s0  }
0x18: {  	s0 =	sld [smem:$0x3F99];
	_ =	swait.ge [sflag:s4], $0x0  }
0x19: {  	s7 =	sld [smem:$0x3F9A]  }
0x1a: {  	s8 =	sadd.s32 $0xFFFFE003, lr  }
0x1b: {  	s9 =	sadd.s32 $0xFFFFFEF7, lr;
	s5 =	simm.s32 $0xFFFFFFFF;
	p2 =	slt.u32 s8, $0xFFFFF086  }
0x1c: {  	p1 =	slt.u32 s9, $0xF7A;
	s5 =	simm.s32 @!p2 $0x0  }
0x1d: {  	s5 =	simm.s32 @p1 $0x1;
	p0 =	seq.s32 s7, s2  }
0x1e: {  	s7 =	smul.u32 @!p0 $0xF7A, s2;
	p2 =	seq.s32 @!p0 s5, $0x0  }
0x1f: {  	s9 =	smul.u32 $0xF7A, s1;
	s8 =	simm.s32 @!p0 $0x1BF5;
	p2 =	por !p2, p0  }
0x20: {  	[sflag:s8] =	ssyncset.s32 @!p0 $0xFFFFF086;
	s6 =	sadd.s32 @!p0 s3, s7;
	s7 =	simm.s32 @!p0 $0x108  }
0x21: {  	s3 =	sadd.s32 s3, s9;
	s6 =	sadd.s32 @!p0 $0x88, s6;
	s7 =	simm.s32 @p2 $0x1082  }
0x22: {  	[simem:s7], [sflag:s8] =	dma.local @!p0 [hbm:s6], $0xF7A  }
0x23: {  	s9 =	sor.u32 $0xD0000000, s2;
	s6 =	simm.s32 $0x108;
	_ =	swait.ge @!p0 [sflag:s8], $0x0  }
0x24: {  	s3 =	sadd.s32 $0x88, s3;
	s6 =	simm.s32 @!p1 $0x1082;
	[sflag:s4] =	ssyncset.s32 $0xFFFFF086  }
0x25: {  	[simem:s6], [sflag:s4] =	dma.local [hbm:s3], $0xF7A  }
0x26: {  	[smem:$0x3F9A] =	sst s1;
	(tag) =	ssettag s2;
	_ =	strace s9  }
0x27: {  	s1 =	sld [smem:$0x3FAA]  }
0x28: {  	s2 =	sld [smem:$0x3FAB]  }
0x29: {  	s4 =	sld [smem:$0x3FAD]  }
0x2a: {  	p0 =	seq.s32 s5, $0x0;
	s5 =	sld [smem:$0x3FAE]  }
0x2b: {  	s6 =	sld [smem:$0x3FAF]  }
0x2c: {  	s7 =	sld [smem:$0x3FB0]  }
0x2d: {  	s3 =	simm.s32 $0x108;
	s8 =	sld [smem:$0x3FB1]  }
0x2e: {  	s3 =	simm.s32 @!p0 $0x1082;
	s9 =	sld [smem:$0x3FB2]  }
0x2f: {  	lr =	sadd.s32 s0, s3;
	s0 =	sld [smem:$0x3FA9]  }
0x30: {  	s3 =	sld [smem:$0x3FAC]  }
0x31: {  	[smem:$0x3FB5] =	sst s10  }
0x32: {  	s10 =	sld [smem:$0x3FB3];
	_ =	sdelay $0x3  }
0x33: {  	p0 =	seq.s32 s10, $0x1;
	s10 =	sld [smem:$0x3FB5];
	_ =	sdelay $0x3  }
0x34: {  	[smem:$0x3FB5] =	sst s10  }
0x35: {  	s10 =	sld [smem:$0x3FB4];
	_ =	sdelay $0x3  }
0x36: {  	p1 =	seq.s32 s10, $0x1;
	s10 =	sld [smem:$0x3FB5];
	_ =	sdelay $0x3  }
0x37: {  	[smem:$0x3FB5] =	sst s10  }
0x38: {  	s10 =	sld [smem:$0x3FB6]  }
0x39: {  	_ = 	snop;
	(pc) =	sbr.ind lr, $3  }
0x3a: {  	_ = 	snop  }
0x3b: {  	_ = 	snop  }
0x3c: {  	p2 =	seq.s32 s10, $0x1;
	s10 =	sld [smem:$0x3FB5]  }
0x3d: {  	_ =	shalt  }
0x3e: {  	_ =	shalt  }
0x3f: {  	_ =	shalt  }
0x40: {  	_ =	shalt  }
0x41: {  	_ =	shalt  }
0x42: {  	_ =	shalt  }
0x43: {  	_ =	shalt  }
0x44: {  	_ =	shalt  }
0x45: {  	_ =	shalt  }
0x46: {  	_ =	shalt  }
0x47: {  	_ =	shalt  }
0x48: {  	_ =	shalt  }
0x49: {  	_ =	shalt  }
0x4a: {  	_ =	shalt  }
0x4b: {  	_ =	shalt  }
0x4c: {  	_ =	shalt  }
0x4d: {  	_ =	shalt  }
0x4e: {  	_ =	shalt  }
0x4f: {  	_ =	shalt  }
0x50: {  	_ =	shalt  }
0x51: {  	_ =	shalt  }
0x52: {  	_ =	shalt  }
0x53: {  	_ =	shalt  }
0x54: {  	_ =	shalt  }
0x55: {  	_ =	shalt  }
0x56: {  	_ =	shalt  }
0x57: {  	_ =	shalt  }
0x58: {  	_ =	shalt  }
0x59: {  	_ =	shalt  }
0x5a: {  	_ =	shalt  }
0x5b: {  	_ =	shalt  }
0x5c: {  	_ =	shalt  }
0x5d: {  	_ =	shalt  }
0x5e: {  	_ =	shalt  }
0x5f: {  	_ =	shalt  }
0x60: {  	_ =	shalt  }
0x61: {  	_ =	shalt  }
0x62: {  	_ =	shalt  }
0x63: {  	_ =	shalt  }
0x64: {  	_ =	shalt  }
0x65: {  	_ =	shalt  }
0x66: {  	_ =	shalt  }
0x67: {  	_ =	shalt  }
0x68: {  	_ =	shalt  }
0x69: {  	_ =	shalt  }
0x6a: {  	_ =	shalt  }
0x6b: {  	_ =	shalt  }
0x6c: {  	_ =	shalt  }
0x6d: {  	_ =	shalt  }
0x6e: {  	_ =	shalt  }
0x6f: {  	_ =	shalt  }
0x70: {  	_ =	shalt  }
0x71: {  	_ =	shalt  }
0x72: {  	_ =	shalt  }
0x73: {  	_ =	shalt  }
0x74: {  	_ =	shalt  }
0x75: {  	_ =	shalt  }
0x76: {  	_ =	shalt  }
0x77: {  	_ =	shalt  }
0x78: {  	_ =	shalt  }
0x79: {  	_ =	shalt  }
0x7a: {  	_ =	shalt  }
0x7b: {  	_ =	shalt  }
0x7c: {  	_ =	shalt  }
0x7d: {  	_ =	shalt  }
0x7e: {  	_ =	shalt  }
0x7f: {  	_ =	shalt  }
0x80: {  	_ =	shalt  }
0x81: {  	_ =	shalt  }
0x82: {  	_ =	shalt  }
0x83: {  	_ =	shalt  }
0x84: {  	_ =	shalt  }
0x85: {  	_ =	shalt  }
0x86: {  	_ =	shalt  }
0x87: {  	_ =	shalt  }
.Lfunc_end0:
.L_simem_size_0:
called_computation.1_lowered:
.L_overlay_start_0:
0x88: {  	s2 =	sld [smem:$0x3FD9]  }
0x89: {  	s3 =	sld [smem:$0x3FFE];
	_ =	sdelay $0x1  }
0x8a: {  	s1 =	srdreg.scid  }
0x8b: {  	s0 =	sand.u32 $0x1, s1  }
0x8c: {  	s14 =	sshll.u32 s0, $0xA;
	s2 =	sadd.s32 s3, s2  }
0x8d: {  	s2 =	sadd.s32 s2, s14  }
0x8e: {  	[smem:$0x3FC1] =	sst s2  }
0x8f: {  	_ = 	snop  }
0x90: {  	s2 =	sld [smem:$0x3FD0];
	_ =	sdelay $0x2  }
0x91: {  	s15 =	simm.s32 $0xA;
	s4 =	simm.s32 $0x10  }
0x92: {  	[smem:s4], [sflag:s15] =	dma.local [hbm:s2], $0x1  }
0x93: {  	_ =	swait.eq [sflag:s15], $0x1  }
0x94: {  	[sflag:s15] =	ssyncset.done $0x0  }
0x95: {  	[sflag:s15] =	ssyncadd.s32 $0xFFFFFFFF  }
0x96: {  	s16 =	sld [smem:$0x10];
	(tm) =	ssettm $0x1  }
0x97: {  	s17 =	sld [smem:$0x3FFB];
	_ =	sdelay $0x3  }
0x98: {  	_ =	strace s17  }
0x99: {  	s3 =	sld [smem:$0x3FFC];
	_ =	sdelay $0x3  }
0x9a: {  	_ =	strace s3  }
0x9b: {  	s3 =	sld [smem:$0x3FFD];
	_ =	sdelay $0x3  }
0x9c: {  	_ =	strace s3  }
0x9d: {  	_ =	strace $0x8FFFFFFF  }
0x9e: {  	s18 =	sld [smem:$0x3FDB];
	_ =	sdelay $0x1  }
0x9f: {  	s19 =	simm.s32 $_scs_section_size  }
0xa0: {  	s5 =	simm.s32 $_size__tile_overlayer_lowered;
	s6 =	simm.s32 $_tile_overlayer_lowered  }
0xa1: {  	s22 =	simm.s32 $0x1BFF;
	s21 =	sshll.u32 s6, $0x1;
	s3 =	sadd.s32 s19, s18  }
0xa2: {  	s7 =	simm.s32 $0x0;
	s20 =	sshll.u32 s5, $0x1;
	s5 =	sadd.s32 s21, s3  }
0xa3: {  	[timem:s7], [sflag:s22] =	dma.local [hbm:s5], s20  }
0xa4: {  	_ =	swait.ge [sflag:s22], s20  }
0xa5: {  	s4 =	ssub.s32 $0x0, s20;
	[sflag:s22] =	ssyncset.done $0x0  }
0xa6: {  	[sflag:s22] =	ssyncadd.s32 s4;
	_ =	sdelay $0x1  }
0xa7: {  	s23 =	simm.s32 $0x1B8B  }
0xa8: {  	_ =	swait.ge [sflag:s23], $0x1  }
0xa9: {  	[sflag:s23] =	ssyncset.done $0x0  }
0xaa: {  	s25 =	simm.s32 $0x1B8E;
	s24 =	sld [smem:$0x3FFE];
	[sflag:s23] =	ssyncadd.s32 $0xFFFFFFFF  }
0xab: {  	s26 =	simm.s32 $execute0_lowered;
	[smem:$0x3FD2] =	sst s25  }
0xac: {  	s5 =	sshll.u32 s26, $0x1;
	_ =	strace $0x80000049;
	[dreg:$0x1] =	wrdreg $0xFFFFFFFF  }
0xad: {  	s28 =	simm.s32 $_size_execute0_lowered;
	s3 =	sadd.s32 s3, s5;
	[dreg:$0x0] =	wrdreg $0x0  }
0xae: {  	s5 =	sshll.u32 s28, $0x1;
	[dreg:$0x2] =	wrdreg s3  }
0xaf: {  	[dreg:$0x3] =	wrdreg s5  }
0xb0: {  	[dreg:$0x4] =	wrdreg $0xC0  }
0xb1: {  	_ =	task [dreg:s7], $0x5FFFF  }
0xb2: {  	[dreg:$0x1] =	wrdreg $0xFFFFFFFF  }
0xb3: {  	[dreg:$0x0] =	wrdreg $0x60  }
0xb4: {  	[dreg:$0x2] =	wrdreg s24  }
0xb5: {  	[dreg:$0x3] =	wrdreg s16  }
0xb6: {  	[dreg:$0x4] =	wrdreg $0x9  }
0xb7: {  	_ =	task.clear_ibuf [dreg:s7], $0x5FFFF;
	_ =	strace $0x90000049  }
0xb8: {  	s29 =	simm.s32 $0x9;
	_ =	strace $0x8000004B  }
0xb9: {  	_ =	swait.ge [sflag:s29], $0x1  }
0xba: {  	[sflag:s29] =	ssyncadd.s32 $0xFFFFFFFF  }
0xbb: {  	_ =	strace $0x9000004B  }
0xbc: {  	_ =	sfence  }
0xbd: {  	s30 =	sld [smem:$0x0];
	_ =	sdelay $0x2  }
0xbe: {  	s31 =	sshll.u32 s1, $0xD;
	s1 =	sshrl.u32 s1, $0x2  }
0xbf: {  	s3 =	sand.u32 $0x4000, s31;
	s1 =	sadd.s32 s1, s30  }
0xc0: {  	s0 =	sor.u32 s3, s0;
	s1 =	sshll.u32 s1, $0x11  }
0xc1: {  	s0 =	sor.u32 s1, s0  }
0xc2: {  	s0 =	sadd.s32 $0x8F2B, s0  }
0xc3: {  	[sflag:s0] =	ssyncadd.remote.s32 $0x1  }
0xc4: {  	_ =	sfence.sel $0xFFFF  }
0xc5: {  	[dreg:$0x0] =	wrdreg $0xFFFFFFFF;
	(pc) =	sbr.abs _section_cstart, $3  }
0xc6: {  	[dreg:$0x1] =	wrdreg $0xFFFFFFFF  }
0xc7: {  	_ =	task.clear_ibuf [dreg:s7], $0x2FFFF;
	_ =	strace $0x9FFFFFFF  }
0xc8: {  	(tm) =	ssettm $0x7FFFFFFF  }
0xc9: {  	_ =	shalt  }
tec
execute0_lowered:
.L_overlay_start_1:
0x0: {  	(tag) =	ssettag $0x1  }
0x1: {  	s0 =	rddreg [dreg:$0x0];
	s1 =	srdreg.scid  }
0x2: {  	s7 =	stileid.u32;
	s8 =	rddreg [dreg:$0x1];
	s2 =	simm.s32 $0x0  }
0x3: {  	s11 =	simm.s32 $0xB;
	s12 =	simm.s32 $0x80;
	s13 =	simm.s32 $0x4B00  }
0x4: {  	s14 =	simm.s32 $0x6400;
	s18 =	simm.s32 $0xE400;
	s22 =	simm.s32 $0x16400  }
0x5: {  	s23 =	simm.s32 $0x1;
	s28 =	simm.s32 $0x7;
	s29 =	simm.s32 $0x8  }
0x6: {  	s30 =	simm.s32 $0x9;
	s31 =	simm.s32 $0xA;
	s1 =	sand.u32 $0x1, s1  }
0x7: {  	s3 =	sshll.u32 s7, $0x1;
	[smem:$0x7FF] =	sst s2;
	s7 =	smul.u32 $0x32000, s7  }
0x8: {  	s4 =	sor.u32 s1, s3;
	s6 =	ssub.s32 $0x2, s1;
	s1 =	smul.u32 $0x19000, s1  }
0x9: {  	_ =	strace $0x8000004A;
	s3 =	sadd.s32 $0x14400, s0;
	s5 =	smul.u32 $0x1900, s4  }
0xa: {  	s9 =	smul.u32 $0x19000, s4;
	s24 =	sshrl.u32 s6, $0x1;
	s26 =	sadd.s32 s7, s8  }
0xb: {  	s10 =	ssub.s32 s6, s24;
	s24 =	simm.s32 $0x3;
	s5 =	sshrl.u32 s5, $0x3  }
.Ltmp0:
0xc: {  	s7 =	smax.u32 s10, $0x1;
	s9 =	sadd.s32 s8, s9;
	(pc) =	sbr.rel .LBB2_1-.Ltmp0, $4  }
0xd: {  	s0 =	sadd.s32 s5, s0;
	s8 =	sadd.s32 $0x17000, s9;
	s9 =	sadd.s32 $0x18000, s9  }
0xe: {  	s25 =	sadd.s32 $0x400, s0;
	s5 =	sadd.s32 $0x6800, s0;
	s6 =	sadd.s32 $0xE000, s0  }
0xf: {  	s0 =	sadd.s32 s1, s26;
	s26 =	simm.s32 $0x6;
	s1 =	simm.s32 $0x0  }
0x10: {  	v0 =	vlaneseq.u32;
	[dreg:$0x3] =	wrdreg s25;
	s15 =	sadd.s32 $0x2000, s0;
	s25 =	simm.s32 $0x5  }
.LBB2_6:
0x11: {  	_ =	swait.ge [sflag:s26], $0x4000  }
0x12: {  	[sflag:s26] =	ssyncset.done $0x0  }
0x13: {  	[sflag:s26] =	ssyncadd.s32 $0xFFFFC000  }
0x14: {  	_ =	swait.ge [sflag:s28], $0x4000  }
0x15: {  	[sflag:s28] =	ssyncset.done $0x0  }
0x16: {  	[sflag:s28] =	ssyncadd.s32 $0xFFFFC000  }
0x17: {  	_ =	swait.ge [sflag:s29], $0x4000  }
0x18: {  	[sflag:s29] =	ssyncset.done $0x0  }
0x19: {  	s1 =	sadd.s32 $0x1, s1;
	[sflag:s29] =	ssyncadd.s32 $0xFFFFC000  }
0x1a: {  	p0 =	sne.s32 s1, s7;
	_ =	swait.ge [sflag:s30], $0x4000  }
.Ltmp1:
0x1b: {  	[sflag:s30] =	ssyncset.done $0x0;
	(pc) =	sbr.rel @!p0 .LBB2_7-.Ltmp1, $4  }
0x1c: {  	[sflag:s30] =	ssyncadd.s32 $0xFFFFC000  }
0x1d: {  	_ =	swait.ge [sflag:s31], $0x4000  }
0x1e: {  	[sflag:s31] =	ssyncset.done $0x0  }
0x1f: {  	[sflag:s31] =	ssyncadd.s32 $0xFFFFC000  }
.LBB2_1:
0x20: {  	s0 =	rddreg [dreg:$0x3]  }
0x21: {  	[tilespmem:s2], [sflag:$0xB] =	stream.linear.gather [hbm4b:s0+s2], $0x1900, $0x38;
	[tilespmem:$0x1A400] =	vst v63  }
0x22: {  	_ =	swait.ge [sflag:s11], $0x1900  }
0x23: {  	[sflag:s11] =	ssyncset.done $0x0  }
0x24: {  	s21 =	simm.s32 $0x1900;
	[sflag:s11] =	ssyncadd.s32 $0xFFFFE700  }
0x25: {  	[tilespmem:s21], [sflag:$0xB] =	stream.linear.gather [hbm4b:s5+s2], $0x1900, $0x38;
	[tilespmem:$0x1A400] =	vst v63  }
0x26: {  	_ =	swait.ge [sflag:s11], $0x1900  }
0x27: {  	[sflag:s11] =	ssyncset.done $0x0  }
0x28: {  	s10 =	simm.s32 $0x3200;
	[sflag:s11] =	ssyncadd.s32 $0xFFFFE700  }
0x29: {  	[tilespmem:s10], [sflag:$0xB] =	stream.linear.gather [hbm4b:s6+s2], $0x1900, $0x38;
	[tilespmem:$0x1A400] =	vst v63  }
0x2a: {  	_ =	swait.ge [sflag:s11], $0x1900  }
0x2b: {  	[sflag:s11] =	ssyncset.done $0x0  }
0x2c: {  	[sflag:s11] =	ssyncadd.s32 $0xFFFFE700  }
0x2d: {  	v1 =	vld [tilespmem:s2+$0x0]  }
0x2e: {  	v2 =	vld [tilespmem:s21+$0x0]  }
0x2f: {  	v3 =	vld [tilespmem:s10+$0x0];
	_ =	sdelay $0x1  }
0x30: {  	v4 =	vor.u32 s2, v0  }
0x31: {  	v4 =	vand.u32 $0x7F, v4  }
0x32: {  	v4 =	vadd.s32 $0x186A0, v4;
	vm0 =	vgt.s32 v2, $0x0  }
0x33: {  	vm15 =	vgt.s32 v3, $0x0;
	v2 =	vadd.s32 $0x1871F, v3;
	v1 =	vsel vm0, v1, v4  }
0x34: {  	v1 =	vsel vm15, v2, v1  }
0x35: {  	s10 =	simm.s32 $0x10;
	[tilespmem:s13+$0x0] =	vst v1  }
0x36: {  	s16 =	simm.s32 $0x1910;
	s17 =	simm.s32 $0x20;
	v1 =	vld [tilespmem:s10+$0x0]  }
0x37: {  	s19 =	simm.s32 $0x3210;
	s20 =	simm.s32 $0x10;
	s0 =	simm.s32 $0x4B00;
	v2 =	vld [tilespmem:s16+$0x0]  }
.LBB2_2:
0x38: {  	p0 =	sne.s32 s17, $0x18F0;
	v3 =	vld [tilespmem:s19+$0x0];
	_ =	sdelay $0x1  }
0x39: {  	v4 =	vor.u32 s10, v0;
	s10 =	smov.u32 s17  }
0x3a: {  	v4 =	vand.u32 $0x7F, v4  }
0x3b: {  	v4 =	vadd.s32 $0x186A0, v4;
	vm0 =	vgt.s32 v2, $0x0  }
.Ltmp2:
0x3c: {  	v1 =	vsel vm0, v1, v4;
	vm0 =	vgt.s32 v3, $0x0;
	v2 =	vadd.s32 $0x1871F, v3;
	(pc) =	sbr.rel @p0 .LBB2_2-.Ltmp2, $4  }
0x3d: {  	s0 =	sadd.s32 $0x10, s0;
	v1 =	vsel vm0, v2, v1  }
0x3e: {  	s20 =	sadd.s32 $0x10, s20;
	[tilespmem:s0+$0x0] =	vst v1  }
0x3f: {  	s16 =	sadd.s32 $0x10, s16;
	v1 =	vld [tilespmem:s20+$0x0]  }
0x40: {  	s17 =	sadd.s32 $0x10, s17;
	s19 =	sadd.s32 $0x10, s19;
	v2 =	vld [tilespmem:s16+$0x0]  }
0x41: {  	v3 =	vld [tilespmem:s19+$0x0];
	_ =	sdelay $0x1  }
0x42: {  	v4 =	vor.u32 s10, v0  }
0x43: {  	v4 =	vand.u32 $0x7F, v4  }
0x44: {  	v4 =	vadd.s32 $0x186A0, v4;
	vm0 =	vgt.s32 v2, $0x0  }
0x45: {  	v1 =	vsel vm0, v1, v4;
	vm15 =	vgt.s32 v3, $0x0;
	v2 =	vadd.s32 $0x1871F, v3  }
0x46: {  	s0 =	sadd.s32 $0x10, s0;
	v1 =	vsel vm15, v2, v1  }
0x47: {  	[tilespmem:s0+$0x0] =	vst v1  }
0x48: {  	[tilespmem:s14], [sflag:$0x1] =	stream.indirect.gather [hbm4b:s3+s12], $0x80, s13, s12, $0xb8;
	[tilespmem:$0x1A400] =	vst v63  }
0x49: {  	s16 =	simm.s32 $0x4B80;
	s4 =	simm.s32 $0xA400  }
0x4a: {  	[tilespmem:s4], [sflag:$0x2] =	stream.indirect.gather [hbm4b:s3+s12], $0x80, s16, s12, $0xb8;
	[tilespmem:$0x1A400] =	vst v63  }
0x4b: {  	s17 =	simm.s32 $0x4C00  }
0x4c: {  	[tilespmem:s18], [sflag:$0x3] =	stream.indirect.gather [hbm4b:s3+s12], $0x80, s17, s12, $0xb8;
	[tilespmem:$0x1A400] =	vst v63  }
0x4d: {  	s19 =	simm.s32 $0x4C80;
	s20 =	simm.s32 $0x12400  }
0x4e: {  	[tilespmem:s20], [sflag:$0x4] =	stream.indirect.gather [hbm4b:s3+s12], $0x80, s19, s12, $0xb8;
	[tilespmem:$0x1A400] =	vst v63  }
0x4f: {  	s21 =	simm.s32 $0x4D00;
	s10 =	smov.u32 s15;
	s0 =	simm.s32 $0x0  }
0x50: {  	[tilespmem:s22], [sflag:$0x5] =	stream.indirect.gather [hbm4b:s3+s12], $0x80, s21, s12, $0xb8;
	[tilespmem:$0x1A400] =	vst v63  }
.LBB2_4:
0x51: {  	_ =	swait.ge [sflag:s23], $0x4000  }
0x52: {  	[sflag:s23] =	ssyncset.done $0x0  }
0x53: {  	s16 =	sadd.s32 $0xFFFFE000, s10;
	p0 =	seq.s32 s0, $0x5A00;
	[sflag:s23] =	ssyncadd.s32 $0xFFFFC000  }
0x54: {  	[hbm4b:s16+s2] =	stream.linear.scatter [tilespmem:s14], [sflag:$0x6], $0x4000, $0x38;
	[tilespmem:$0x1A400] =	vst v63  }
0x55: {  	s16 =	simm.s32 @p0 $0x2  }
0x56: {  	_ =	swait.ge @p0 [sflag:s16], $0x4000  }
0x57: {  	[sflag:s16] =	ssyncset.done @p0 $0x0  }
0x58: {  	s17 =	simm.s32 @p0 $0xA400;
	[sflag:s16] =	ssyncadd.s32 @p0 $0xFFFFC000;
	s16 =	simm.s32 @p0 $0x0  }
0x59: {  	[hbm4b:s8+s16] =	stream.linear.scatter @p0 [tilespmem:s17], [sflag:$0x7], $0x4000, $0x38;
	[tilespmem:$0x1A400] =	vst v63  }
0x5a: {  	s17 =	simm.s32 @!p0 $0x6  }
0x5b: {  	_ =	swait.ge @!p0 [sflag:s17], $0x4000  }
0x5c: {  	[sflag:s17] =	ssyncset.done @!p0 $0x0  }
0x5d: {  	[sflag:s17] =	ssyncadd.s32 @!p0 $0xFFFFC000;
	s17 =	sshra.s32 @!p0 s0, $0x2  }
0x5e: {  	s20 =	simm.s32 @!p0 $0x80;
	s21 =	simm.s32 @!p0 $0x6400;
	s19 =	sadd.s32 @!p0 $0x4D80, s17  }
0x5f: {  	[tilespmem:s21], [sflag:$0x1] =	stream.indirect.gather @!p0 [hbm4b:s3+s20], $0x80, s19, s20, $0xb8;
	[tilespmem:$0x1A400] =	vst v63  }
0x60: {  	s19 =	simm.s32 @!p0 $0x2  }
0x61: {  	_ =	swait.ge @!p0 [sflag:s19], $0x4000  }
0x62: {  	s4 =	simm.s32 @!p0 $0xA400;
	[sflag:s19] =	ssyncset.done @!p0 $0x0  }
0x63: {  	s21 =	simm.s32 @!p0 $0x0;
	[sflag:s19] =	ssyncadd.s32 @!p0 $0xFFFFC000;
	s19 =	sadd.s32 @!p0 $0xFFFFE800, s10  }
0x64: {  	[hbm4b:s19+s21] =	stream.linear.scatter @!p0 [tilespmem:s4], [sflag:$0x7], $0x4000, $0x38;
	[tilespmem:$0x1A400] =	vst v63  }
0x65: {  	s19 =	simm.s32 @!p0 $0x7  }
0x66: {  	_ =	swait.ge @!p0 [sflag:s19], $0x4000  }
0x67: {  	[sflag:s19] =	ssyncset.done @!p0 $0x0  }
0x68: {  	[sflag:s19] =	ssyncadd.s32 @!p0 $0xFFFFC000;
	s19 =	sadd.s32 @!p0 $0x4E00, s17  }
0x69: {  	[tilespmem:s4], [sflag:$0x2] =	stream.indirect.gather @!p0 [hbm4b:s3+s20], $0x80, s19, s20, $0xb8;
	[tilespmem:$0x1A400] =	vst v63  }
0x6a: {  	_ =	swait.ge [sflag:s24], $0x4000  }
0x6b: {  	[sflag:s24] =	ssyncset.done $0x0  }
0x6c: {  	s19 =	sadd.s32 $0xFFFFF000, s10;
	s4 =	simm.s32 @p0 $0x4;
	[sflag:s24] =	ssyncadd.s32 $0xFFFFC000  }
0x6d: {  	[hbm4b:s19+s2] =	stream.linear.scatter [tilespmem:s18], [sflag:$0x8], $0x4000, $0x38;
	[tilespmem:$0x1A400] =	vst v63  }
0x6e: {  	_ =	swait.ge @p0 [sflag:s4], $0x4000  }
0x6f: {  	[sflag:s4] =	ssyncset.done @p0 $0x0  }
0x70: {  	[sflag:s4] =	ssyncadd.s32 @p0 $0xFFFFC000;
	s4 =	simm.s32 @p0 $0x12400  }
0x71: {  	[hbm4b:s9+s16] =	stream.linear.scatter @p0 [tilespmem:s4], [sflag:$0x9], $0x4000, $0x38;
	[tilespmem:$0x1A400] =	vst v63  }
0x72: {  	s4 =	simm.s32 @!p0 $0x8  }
0x73: {  	_ =	swait.ge @!p0 [sflag:s4], $0x4000  }
0x74: {  	[sflag:s4] =	ssyncset.done @!p0 $0x0  }
0x75: {  	s16 =	simm.s32 @!p0 $0xE400;
	[sflag:s4] =	ssyncadd.s32 @!p0 $0xFFFFC000;
	s4 =	sadd.s32 @!p0 $0x4E80, s17  }
0x76: {  	[tilespmem:s16], [sflag:$0x3] =	stream.indirect.gather @!p0 [hbm4b:s3+s20], $0x80, s4, s20, $0xb8;
	[tilespmem:$0x1A400] =	vst v63  }
0x77: {  	s4 =	simm.s32 @!p0 $0x4  }
0x78: {  	_ =	swait.ge @!p0 [sflag:s4], $0x4000  }
0x79: {  	[sflag:s4] =	ssyncset.done @!p0 $0x0  }
0x7a: {  	s16 =	simm.s32 @!p0 $0x12400;
	[sflag:s4] =	ssyncadd.s32 @!p0 $0xFFFFC000;
	s4 =	sadd.s32 @!p0 $0xFFFFF800, s10  }
0x7b: {  	[hbm4b:s4+s21] =	stream.linear.scatter @!p0 [tilespmem:s16], [sflag:$0x9], $0x4000, $0x38;
	[tilespmem:$0x1A400] =	vst v63  }
0x7c: {  	s4 =	simm.s32 @!p0 $0x9  }
0x7d: {  	_ =	swait.ge @!p0 [sflag:s4], $0x4000  }
0x7e: {  	[sflag:s4] =	ssyncset.done @!p0 $0x0  }
0x7f: {  	[sflag:s4] =	ssyncadd.s32 @!p0 $0xFFFFC000;
	s4 =	sadd.s32 @!p0 $0x4F00, s17  }
0x80: {  	[tilespmem:s16], [sflag:$0x4] =	stream.indirect.gather @!p0 [hbm4b:s3+s20], $0x80, s4, s20, $0xb8;
	[tilespmem:$0x1A400] =	vst v63  }
.Ltmp3:
0x81: {  	_ = 	snop;
	(pc) =	sbr.rel @p0 .LBB2_6-.Ltmp3, $4  }
0x82: {  	_ =	swait.ge [sflag:s25], $0x4000  }
0x83: {  	[sflag:s25] =	ssyncset.done $0x0  }
0x84: {  	[sflag:s25] =	ssyncadd.s32 $0xFFFFC000  }
0x85: {  	[hbm4b:s10+s2] =	stream.linear.scatter [tilespmem:s22], [sflag:$0xA], $0x4000, $0x38;
	[tilespmem:$0x1A400] =	vst v63  }
.Ltmp4:
0x86: {  	(pc) =	sbr.rel .LBB2_4-.Ltmp4, $4  }
0x87: {  	_ =	swait.ge [sflag:s31], $0x4000  }
0x88: {  	s4 =	sshra.s32 s0, $0x2;
	s0 =	sadd.s32 $0xA00, s0;
	[sflag:s31] =	ssyncset.done $0x0  }
0x89: {  	s10 =	sadd.s32 $0x2800, s10;
	s4 =	sadd.s32 $0x4F80, s4;
	[sflag:s31] =	ssyncadd.s32 $0xFFFFC000  }
0x8a: {  	[tilespmem:s22], [sflag:$0x5] =	stream.indirect.gather [hbm4b:s3+s12], $0x80, s4, s12, $0xb8;
	[tilespmem:$0x1A400] =	vst v63  }
.LBB2_7:
0x8b: {  	_ =	sfence.sel $0x180000  }
0x8c: {  	[bflag:$0x0] =	sbarrier.arrive $0xFFFF  }
0x8d: {  	_ =	strace $0x9000004A  }
0x8e: {  	s0 =	stileid.u32;
	[bflag:$0x2] =	sbarrier.arrive $0xFFFF  }
0x8f: {  	p0 =	sne.s32 s0, $0x0;
	s0 =	rddreg [dreg:$0x2]  }
0x90: {  	s0 =	sadd.s32 @!p0 $0x100000, s0  }
0x91: {  	[sflag:s0] =	ssyncadd.tile.s32 @!p0 $0x1;
	_ =	shalt  }
.Lfunc_end2:
_tile_overlayer_lowered:
.L_overlay_start_2:
0x92: {  	(tag) =	ssettag $0x2  }
0x93: {  	s0 =	rddreg [dreg:$0x0];
	s2 =	stileid.u32  }
0x94: {  	s1 =	rddreg [dreg:$0x1];
	p0 =	sne.s32 s2, $0x0  }
0x95: {  	s3 =	rddreg [dreg:$0x2];
	[bflag:$0x3] =	sbarrier.arrive $0xFFFF;
	s2 =	simm.s32 @!p0 $0x1C0B  }
0x96: {  	[timem:s3], [sflag:s2] =	dma.local @!p0 [hbm:s0], s1  }
0x97: {  	s0 =	simm.s32 @!p0 $0xB  }
0x98: {  	_ =	swait.ge @!p0 [sflag:s0], s1  }
0x99: {  	s1 =	ssub.s32 @!p0 $0x0, s1;
	[sflag:s0] =	ssyncset.done @!p0 $0x0  }
0x9a: {  	[sflag:s0] =	ssyncadd.s32 @!p0 s1  }
0x9b: {  	[bflag:$0x3] =	sbarrier.arrive $0xFFFF  }
0x9c: {  	_ =	shalt  }

// kernel: scatter_offload_async_start
scs
__scs_entry_jumppad:
0x0: {  	(pc) =	sbr.rel $0x88, $3  }
0x1: {  	(tag) =	ssettag $0x0;
	lr =	simm.s32 $0x1  }
0x2: {  	[smem:$0x3F9A] =	sst lr;
	_ =	strace $0xD0000000  }
0x3: {  	_ = 	snop  }
0x4: {  	_ = 	snop  }
0x5: {  	_ = 	snop  }
0x6: {  	_ = 	snop  }
0x7: {  	_ = 	snop  }
__scs_overlays_trampoline_lowered:
0x8: {  	[smem:$0x3FA9] =	sst s0  }
0x9: {  	[smem:$0x3FAA] =	sst s1  }
0xa: {  	[smem:$0x3FAB] =	sst s2  }
0xb: {  	[smem:$0x3FAC] =	sst s3  }
0xc: {  	[smem:$0x3FAD] =	sst s4  }
0xd: {  	[smem:$0x3FAE] =	sst s5  }
0xe: {  	[smem:$0x3FAF] =	sst s6  }
0xf: {  	[smem:$0x3FB0] =	sst s7  }
0x10: {  	[smem:$0x3FB1] =	sst s8  }
0x11: {  	[smem:$0x3FB2] =	sst s9;
	s0 =	simm.s32 @!p0 $0x0  }
0x12: {  	s1 =	sld [smem:$0x3F98];
	s0 =	simm.s32 @p0 $0x1  }
0x13: {  	[smem:$0x3FB3] =	sst s0;
	s0 =	simm.s32 @!p1 $0x0  }
0x14: {  	s2 =	sld [smem:$0x3F97];
	s0 =	simm.s32 @p1 $0x1  }
0x15: {  	[smem:$0x3FB4] =	sst s0;
	s0 =	simm.s32 @!p2 $0x0  }
0x16: {  	s3 =	sld [smem:$0x3FDB];
	s0 =	simm.s32 @p2 $0x1  }
0x17: {  	s4 =	simm.s32 $0x1BF5;
	[smem:$0x3FB6] =	sst s0  }
0x18: {  	s0 =	sld [smem:$0x3F99];
	_ =	swait.ge [sflag:s4], $0x0  }
0x19: {  	s7 =	sld [smem:$0x3F9A]  }
0x1a: {  	s8 =	sadd.s32 $0xFFFFE003, lr  }
0x1b: {  	s9 =	sadd.s32 $0xFFFFFEF7, lr;
	s5 =	simm.s32 $0xFFFFFFFF;
	p2 =	slt.u32 s8, $0xFFFFF086  }
0x1c: {  	p1 =	slt.u32 s9, $0xF7A;
	s5 =	simm.s32 @!p2 $0x0  }
0x1d: {  	s5 =	simm.s32 @p1 $0x1;
	p0 =	seq.s32 s7, s2  }
0x1e: {  	s7 =	smul.u32 @!p0 $0xF7A, s2;
	p2 =	seq.s32 @!p0 s5, $0x0  }
0x1f: {  	s9 =	smul.u32 $0xF7A, s1;
	s8 =	simm.s32 @!p0 $0x1BF5;
	p2 =	por !p2, p0  }
0x20: {  	[sflag:s8] =	ssyncset.s32 @!p0 $0xFFFFF086;
	s6 =	sadd.s32 @!p0 s3, s7;
	s7 =	simm.s32 @!p0 $0x108  }
0x21: {  	s3 =	sadd.s32 s3, s9;
	s6 =	sadd.s32 @!p0 $0x88, s6;
	s7 =	simm.s32 @p2 $0x1082  }
0x22: {  	[simem:s7], [sflag:s8] =	dma.local @!p0 [hbm:s6], $0xF7A  }
0x23: {  	s9 =	sor.u32 $0xD0000000, s2;
	s6 =	simm.s32 $0x108;
	_ =	swait.ge @!p0 [sflag:s8], $0x0  }
0x24: {  	s3 =	sadd.s32 $0x88, s3;
	s6 =	simm.s32 @!p1 $0x1082;
	[sflag:s4] =	ssyncset.s32 $0xFFFFF086  }
0x25: {  	[simem:s6], [sflag:s4] =	dma.local [hbm:s3], $0xF7A  }
0x26: {  	[smem:$0x3F9A] =	sst s1;
	(tag) =	ssettag s2;
	_ =	strace s9  }
0x27: {  	s1 =	sld [smem:$0x3FAA]  }
0x28: {  	s2 =	sld [smem:$0x3FAB]  }
0x29: {  	s4 =	sld [smem:$0x3FAD]  }
0x2a: {  	p0 =	seq.s32 s5, $0x0;
	s5 =	sld [smem:$0x3FAE]  }
0x2b: {  	s6 =	sld [smem:$0x3FAF]  }
0x2c: {  	s7 =	sld [smem:$0x3FB0]  }
0x2d: {  	s3 =	simm.s32 $0x108;
	s8 =	sld [smem:$0x3FB1]  }
0x2e: {  	s3 =	simm.s32 @!p0 $0x1082;
	s9 =	sld [smem:$0x3FB2]  }
0x2f: {  	lr =	sadd.s32 s0, s3;
	s0 =	sld [smem:$0x3FA9]  }
0x30: {  	s3 =	sld [smem:$0x3FAC]  }
0x31: {  	[smem:$0x3FB5] =	sst s10  }
0x32: {  	s10 =	sld [smem:$0x3FB3];
	_ =	sdelay $0x3  }
0x33: {  	p0 =	seq.s32 s10, $0x1;
	s10 =	sld [smem:$0x3FB5];
	_ =	sdelay $0x3  }
0x34: {  	[smem:$0x3FB5] =	sst s10  }
0x35: {  	s10 =	sld [smem:$0x3FB4];
	_ =	sdelay $0x3  }
0x36: {  	p1 =	seq.s32 s10, $0x1;
	s10 =	sld [smem:$0x3FB5];
	_ =	sdelay $0x3  }
0x37: {  	[smem:$0x3FB5] =	sst s10  }
0x38: {  	s10 =	sld [smem:$0x3FB6]  }
0x39: {  	_ = 	snop;
	(pc) =	sbr.ind lr, $3  }
0x3a: {  	_ = 	snop  }
0x3b: {  	_ = 	snop  }
0x3c: {  	p2 =	seq.s32 s10, $0x1;
	s10 =	sld [smem:$0x3FB5]  }
0x3d: {  	_ =	shalt  }
0x3e: {  	_ =	shalt  }
0x3f: {  	_ =	shalt  }
0x40: {  	_ =	shalt  }
0x41: {  	_ =	shalt  }
0x42: {  	_ =	shalt  }
0x43: {  	_ =	shalt  }
0x44: {  	_ =	shalt  }
0x45: {  	_ =	shalt  }
0x46: {  	_ =	shalt  }
0x47: {  	_ =	shalt  }
0x48: {  	_ =	shalt  }
0x49: {  	_ =	shalt  }
0x4a: {  	_ =	shalt  }
0x4b: {  	_ =	shalt  }
0x4c: {  	_ =	shalt  }
0x4d: {  	_ =	shalt  }
0x4e: {  	_ =	shalt  }
0x4f: {  	_ =	shalt  }
0x50: {  	_ =	shalt  }
0x51: {  	_ =	shalt  }
0x52: {  	_ =	shalt  }
0x53: {  	_ =	shalt  }
0x54: {  	_ =	shalt  }
0x55: {  	_ =	shalt  }
0x56: {  	_ =	shalt  }
0x57: {  	_ =	shalt  }
0x58: {  	_ =	shalt  }
0x59: {  	_ =	shalt  }
0x5a: {  	_ =	shalt  }
0x5b: {  	_ =	shalt  }
0x5c: {  	_ =	shalt  }
0x5d: {  	_ =	shalt  }
0x5e: {  	_ =	shalt  }
0x5f: {  	_ =	shalt  }
0x60: {  	_ =	shalt  }
0x61: {  	_ =	shalt  }
0x62: {  	_ =	shalt  }
0x63: {  	_ =	shalt  }
0x64: {  	_ =	shalt  }
0x65: {  	_ =	shalt  }
0x66: {  	_ =	shalt  }
0x67: {  	_ =	shalt  }
0x68: {  	_ =	shalt  }
0x69: {  	_ =	shalt  }
0x6a: {  	_ =	shalt  }
0x6b: {  	_ =	shalt  }
0x6c: {  	_ =	shalt  }
0x6d: {  	_ =	shalt  }
0x6e: {  	_ =	shalt  }
0x6f: {  	_ =	shalt  }
0x70: {  	_ =	shalt  }
0x71: {  	_ =	shalt  }
0x72: {  	_ =	shalt  }
0x73: {  	_ =	shalt  }
0x74: {  	_ =	shalt  }
0x75: {  	_ =	shalt  }
0x76: {  	_ =	shalt  }
0x77: {  	_ =	shalt  }
0x78: {  	_ =	shalt  }
0x79: {  	_ =	shalt  }
0x7a: {  	_ =	shalt  }
0x7b: {  	_ =	shalt  }
0x7c: {  	_ =	shalt  }
0x7d: {  	_ =	shalt  }
0x7e: {  	_ =	shalt  }
0x7f: {  	_ =	shalt  }
0x80: {  	_ =	shalt  }
0x81: {  	_ =	shalt  }
0x82: {  	_ =	shalt  }
0x83: {  	_ =	shalt  }
0x84: {  	_ =	shalt  }
0x85: {  	_ =	shalt  }
0x86: {  	_ =	shalt  }
0x87: {  	_ =	shalt  }
.Lfunc_end0:
.L_simem_size_0:
called_computation_lowered:
.L_overlay_start_0:
0x88: {  	s0 =	sld [smem:$0x3FD9]  }
0x89: {  	s1 =	sld [smem:$0x3FFE];
	_ =	sdelay $0x3  }
0x8a: {  	s0 =	sadd.s32 s1, s0  }
0x8b: {  	[smem:$0x3FC1] =	sst s0  }
0x8c: {  	_ = 	snop  }
0x8d: {  	s0 =	sld [smem:$0x3FD0];
	_ =	sdelay $0x2  }
0x8e: {  	s13 =	simm.s32 $0xA;
	s2 =	simm.s32 $0x10  }
0x8f: {  	[smem:s2], [sflag:s13] =	dma.local [hbm:s0], $0x1  }
0x90: {  	_ =	swait.eq [sflag:s13], $0x1  }
0x91: {  	[sflag:s13] =	ssyncset.done $0x0  }
0x92: {  	[sflag:s13] =	ssyncadd.s32 $0xFFFFFFFF  }
0x93: {  	s14 =	sld [smem:$0x10];
	(tm) =	ssettm $0x1  }
0x94: {  	s15 =	sld [smem:$0x3FFB];
	_ =	sdelay $0x3  }
0x95: {  	_ =	strace s15  }
0x96: {  	s1 =	sld [smem:$0x3FFC];
	_ =	sdelay $0x3  }
0x97: {  	_ =	strace s1  }
0x98: {  	s1 =	sld [smem:$0x3FFD];
	_ =	sdelay $0x3  }
0x99: {  	_ =	strace s1  }
0x9a: {  	_ =	strace $0x8FFFFFFF  }
0x9b: {  	s16 =	sld [smem:$0x3FDB];
	_ =	sdelay $0x1  }
0x9c: {  	s17 =	simm.s32 $_scs_section_size  }
0x9d: {  	s3 =	simm.s32 $_size__tile_overlayer_lowered;
	s4 =	simm.s32 $_tile_overlayer_lowered  }
0x9e: {  	s20 =	simm.s32 $0x1BFF;
	s19 =	sshll.u32 s4, $0x1;
	s1 =	sadd.s32 s17, s16  }
0x9f: {  	s5 =	simm.s32 $0x0;
	s18 =	sshll.u32 s3, $0x1;
	s3 =	sadd.s32 s19, s1  }
0xa0: {  	[timem:s5], [sflag:s20] =	dma.local [hbm:s3], s18  }
0xa1: {  	_ =	swait.ge [sflag:s20], s18  }
0xa2: {  	s2 =	ssub.s32 $0x0, s18;
	[sflag:s20] =	ssyncset.done $0x0  }
0xa3: {  	[sflag:s20] =	ssyncadd.s32 s2;
	_ =	sdelay $0x1  }
0xa4: {  	s21 =	simm.s32 $0x1B8B  }
0xa5: {  	_ =	swait.ge [sflag:s21], $0x1  }
0xa6: {  	[sflag:s21] =	ssyncset.done $0x0  }
0xa7: {  	s23 =	simm.s32 $0x1B8E;
	s22 =	sld [smem:$0x3FFE];
	[sflag:s21] =	ssyncadd.s32 $0xFFFFFFFF  }
0xa8: {  	s24 =	simm.s32 $execute0_lowered;
	[smem:$0x3FD2] =	sst s23  }
0xa9: {  	s3 =	sshll.u32 s24, $0x1;
	_ =	strace $0x80000046;
	[dreg:$0x1] =	wrdreg $0xFFFFFFFF  }
0xaa: {  	s25 =	simm.s32 $_size_execute0_lowered;
	s1 =	sadd.s32 s1, s3;
	[dreg:$0x0] =	wrdreg $0x0  }
0xab: {  	s3 =	sshll.u32 s25, $0x1;
	[dreg:$0x2] =	wrdreg s1  }
0xac: {  	[dreg:$0x3] =	wrdreg s3  }
0xad: {  	[dreg:$0x4] =	wrdreg $0xC0  }
0xae: {  	_ =	task [dreg:s5], $0x5FFFF  }
0xaf: {  	[dreg:$0x1] =	wrdreg $0xFFFFFFFF  }
0xb0: {  	[dreg:$0x0] =	wrdreg $0x60  }
0xb1: {  	[dreg:$0x2] =	wrdreg s22  }
0xb2: {  	[dreg:$0x3] =	wrdreg s14  }
0xb3: {  	[dreg:$0x4] =	wrdreg $0x9  }
0xb4: {  	_ =	task.clear_ibuf [dreg:s5], $0x5FFFF;
	_ =	strace $0x90000046  }
0xb5: {  	s26 =	simm.s32 $0x9;
	_ =	strace $0x80000048  }
0xb6: {  	_ =	swait.ge [sflag:s26], $0x1  }
0xb7: {  	[sflag:s26] =	ssyncadd.s32 $0xFFFFFFFF  }
0xb8: {  	_ =	strace $0x90000048  }
0xb9: {  	_ =	sfence  }
0xba: {  	s28 =	sld [smem:$0x0];
	_ =	sdelay $0x1  }
0xbb: {  	s29 =	srdreg.scid  }
0xbc: {  	s30 =	sshll.u32 s29, $0xD;
	s31 =	sshrl.u32 s29, $0x2  }
0xbd: {  	s2 =	sand.u32 $0x4000, s30;
	s1 =	sand.u32 $0x1, s29;
	s0 =	sadd.s32 s31, s28  }
0xbe: {  	s1 =	sor.u32 s2, s1;
	s0 =	sshll.u32 s0, $0x11  }
0xbf: {  	s0 =	sor.u32 s0, s1  }
0xc0: {  	s0 =	sadd.s32 $0x8F2B, s0  }
0xc1: {  	[sflag:s0] =	ssyncadd.remote.s32 $0x1  }
0xc2: {  	_ =	sfence.sel $0xFFFF  }
0xc3: {  	[dreg:$0x0] =	wrdreg $0xFFFFFFFF;
	(pc) =	sbr.abs _section_cstart, $3  }
0xc4: {  	[dreg:$0x1] =	wrdreg $0xFFFFFFFF  }
0xc5: {  	_ =	task.clear_ibuf [dreg:s5], $0x2FFFF;
	_ =	strace $0x9FFFFFFF  }
0xc6: {  	(tm) =	ssettm $0x7FFFFFFF  }
0xc7: {  	_ =	shalt  }
tec
execute0_lowered:
.L_overlay_start_1:
0x0: {  	(tag) =	ssettag $0x1  }
0x1: {  	s0 =	rddreg [dreg:$0x0];
	_ =	strace $0x80000047;
	s4 =	simm.s32 $0x1  }
0x2: {  	v1 =	vimm.s32 $0xFFFFFFFF;
	[sflag:s4] =	ssyncpa.u1 $0x0  }
0x3: {  	[tilespmem:$0x10] =	vst v1  }
0x4: {  	v0 =	vimm.s32 $0x80000000;
	[tilespmem:$0x20] =	vst v1  }
0x5: {  	[tilespmem:$0x30] =	vst v0  }
0x6: {  	s2 =	simm.s32 $0x2;
	s26 =	stileid.u32;
	[tilespmem:$0x40] =	vst v0  }
0x7: {  	s5 =	simm.s32 $0x7;
	s7 =	simm.s32 $0x8;
	s31 =	simm.s32 $0x9;
	[tilespmem:$0x50] =	vst v0  }
0x8: {  	s14 =	simm.s32 $0x0;
	s15 =	simm.s32 $0x100;
	s18 =	simm.s32 $0x10;
	[tilespmem:$0x60] =	vst v1  }
0x9: {  	s19 =	simm.s32 $0x5B00;
	s20 =	simm.s32 $0xF;
	s21 =	simm.s32 $0x50;
	[tilespmem:$0x70] =	vst v1  }
0xa: {  	s22 =	simm.s32 $0x28FF;
	s23 =	simm.s32 $0x20;
	s24 =	simm.s32 $0x30;
	[tilespmem:$0x80] =	vst v1  }
0xb: {  	s25 =	simm.s32 $0x50FF;
	s30 =	simm.s32 $0x0;
	s6 =	smul.u32 $0xA00, s26;
	v1 =	vimm.s32 $0x0;
	[tilespmem:$0xB0] =	vst v0  }
.Ltmp0:
0xc: {  	s29 =	simm.s32 $0x0;
	s1 =	sadd.s32 $0xE000, s0;
	[tilespmem:$0x90] =	vst v1;
	(pc) =	sbr.rel .LBB2_1-.Ltmp0, $4  }
0xd: {  	s8 =	sadd.s32 $0xCC00, s0;
	s10 =	sshll.u32 s26, $0x1;
	[tilespmem:$0xA0] =	vst v1;
	[sflag:s2] =	ssyncpa.u1 $0x0  }
0xe: {  	s12 =	sshllo.u32 s26, $0x1;
	s26 =	simm.s32 $0x80;
	[sflag:s5] =	ssyncpa.u1 $0x0  }
0xf: {  	vm0 =	vmmov $0xffff;
	v2 =	vlaneseq.u32;
	s11 =	sor.u32 $0x81, s10;
	s13 =	sor.u32 $0x80, s10;
	[sflag:s7] =	ssyncpa.u1 $0x0  }
0x10: {  	vm1 =	vmxor vm1, vm1;
	vm2 =	vmmov $0x1;
	vm3 =	vcmask $0x3F3C;
	s9 =	sadd.s32 $0xA00, s6;
	s28 =	smov.u32 s6;
	[sflag:s31] =	ssyncpa.u1 $0x0  }
.LBB2_3:
0x11: {  	s0 =	sshrl.u32 s28, $0x3;
	s2 =	rddreg [dreg:$0x1]  }
0x12: {  	s31 =	sand.u32 $0x7, s28;
	s0 =	sadd.s32 s2, s0  }
0x13: {  	[tilespmem:s15], [sflag:$0x7] =	stream.linear.gather [hbm4b:s0+s31], $0xA00, $0x38;
	[tilespmem:$0x5B20] =	vst v63  }
.LBB2_4:
0x14: {  	s0 =	sadd.s32 $0xA00, s28  }
0x15: {  	s2 =	smov.u32 s6;
	s29 =	sadd.s32 $0x1, s29;
	p0 =	slt.s32 s0, s9  }
0x16: {  	s2 =	smov.u32 @p0 s0;
	p0 =	sne.s32 s29, $0x4  }
.Ltmp1:
0x17: {  	_ = 	snop;
	(pc) =	sbr.rel @!p0 .LBB2_13-.Ltmp1, $2  }
0x18: {  	_ =	sdelay $0x2  }
0x19: {  	s30 =	smov.u32 s28;
	s28 =	smov.u32 s2  }
.LBB2_1:
0x1a: {  	p0 =	sgt.s32 s29, $0x1  }
.Ltmp2:
0x1b: {  	_ = 	snop;
	(pc) =	sbr.rel @p0 .LBB2_11-.Ltmp2, $1  }
0x1c: {  	_ =	sdelay $0x3  }
0x1d: {  	p0 =	seq.s32 s29, $0x0  }
.Ltmp3:
0x1e: {  	_ = 	snop;
	(pc) =	sbr.rel @p0 .LBB2_3-.Ltmp3, $1  }
0x1f: {  	_ =	sdelay $0x3  }
0x20: {  	_ =	swait.ge [sflag:s5], $0xA00  }
0x21: {  	[sflag:s5] =	ssyncset.done $0x0  }
0x22: {  	[sflag:s5] =	ssyncadd.s32 $0xFFFFF600;
	(ifvalue) =	ssetifvalue $0xFFFFFFFF;
	v3 =	vld.msk [tilespmem:s15+$0x0 ss:$0x1], $0xffff;
	_ =	sdelay $0x4  }
0x23: {  	v4 =	vperm.xlane v3, v1  }
0x24: {  	vm4 =	vlt.u32 v3, $0x32000  }
0x25: {  	v3 =	vnsel vm4, $0xFFFFFFFE, v3;
	vm4 =	vlt.u32 v4, $0x32000  }
0x26: {  	[tilespmem:$0x70] =	vst v3;
	v3 =	vnsel vm4, $0xFFFFFFFE, v4  }
0x27: {  	s16 =	simm.s32 $0xAF0;
	[tilespmem:$0x80] =	vst v3  }
0x28: {  	v3 =	vld.msk [tilespmem:s16+$0x0 ss:$0x1], $0xffff;
	_ =	sdelay $0x4  }
0x29: {  	(xrf1) =	vunique.msk.u32 $0xffff, v3;
	_ =	sdelay $0xd  }
0x2a: {  	v4 =	vimm.s32 $0xFFFFFFFF;
	v5, _, _ =	vpop (xrf1)  }
0x2b: {  	vm5 =	vne.s32 v3, v4;
	vm4 =	veq.s32 v5, v2  }
0x2c: {  	vm6 =	vlt.u32 v3, $0x32000;
	vm4 =	vmand vm5, vm4  }
0x2d: {  	vm4 =	vmand vm6, vm4  }
0x2e: {  	v4 =	vnsel vm4, $0xFFFFFFFF, v3;
	_ =	sdelay $0x3  }
0x2f: {  	s0 =	simm.s32 $0x28F0;
	(ifvalue) =	ssetifvalue $0xFFFFFFFF  }
0x30: {  	v3 =	vperm.xlane v3, v1;
	[tilespmem:s0], [sflag:$0x8] =	stream.indirect_vreg.gather [hbm4b:s1+s14], $0x1, v4, vm0, $0x4038;
	v4 =	vnsel vm6, $0xFFFFFFFE, v4;
	[tilespmem:$0x5B20] =	vst v63  }
0x31: {  	s2 =	simm.s32 $0x0;
	s3 =	simm.s32 $0xAE0;
	[tilespmem:s16+$0x0] =	vst v4  }
.LBB2_6:
0x32: {  	v4 =	vld.msk [tilespmem:s3+$0x0 ss:$0x1], $0xffff;
	s2 =	sadd.s32 $0x10, s2;
	v5 =	vmov v3;
	s16 =	smov.u32 s3  }
0x33: {  	p0 =	slt.u32 s2, $0x9F0;
	_ =	sdelay $0x4  }
0x34: {  	v3 =	vperm.xlane v4, v1;
	(xrf1) =	vunique.msk.u32 $0xffff, v4;
	_ =	sdelay $0xd  }
0x35: {  	v6, _, _ =	vpop (xrf1)  }
0x36: {  	vm5 =	vne.s32 v4, v5;
	vm4 =	veq.s32 v6, v2  }
0x37: {  	vm6 =	vlt.u32 v4, $0x32000;
	vm4 =	vmand vm5, vm4  }
0x38: {  	vm4 =	vmand vm6, vm4  }
0x39: {  	v4 =	vnsel vm4, $0xFFFFFFFF, v4  }
.Ltmp4:
0x3a: {  	v5 =	vnsel vm6, $0xFFFFFFFE, v4;
	(pc) =	sbr.rel @p0 .LBB2_6-.Ltmp4, $3  }
0x3b: {  	_ =	sdelay $0x1  }
0x3c: {  	s3 =	sadd.s32 $0xFFFFFFF0, s3;
	s0 =	sadd.s32 $0xFFFFFFF0, s0;
	(ifvalue) =	ssetifvalue $0xFFFFFFFF  }
0x3d: {  	[tilespmem:s0], [sflag:$0x8] =	stream.indirect_vreg.gather [hbm4b:s1+s14], $0x1, v4, vm0, $0x4038;
	[tilespmem:s16+$0x0] =	vst v5  }
.Ltmp5:
0x3e: {  	(pc) =	sbr.rel .LBB2_4-.Ltmp5, $4  }
0x3f: {  	_ = 	snop  }
0x40: {  	s0 =	sshrl.u32 s30, $0x3  }
0x41: {  	s2 =	simm.s32 $0x3300;
	s0 =	sadd.s32 s8, s0  }
0x42: {  	[tilespmem:s2], [sflag:$0x8] =	stream.linear.gather [hbm:s0], $0xA00, $0x38;
	[tilespmem:$0x5B20] =	vst v63  }
.LBB2_11:
0x43: {  	p0 =	seq.s32 s29, $0x2  }
.Ltmp6:
0x44: {  	_ = 	snop;
	(pc) =	sbr.rel @!p0 .LBB2_12-.Ltmp6, $1  }
0x45: {  	_ =	sdelay $0x3  }
0x46: {  	_ =	swait.ge [sflag:s7], $0x1400  }
0x47: {  	[sflag:s7] =	ssyncset.done $0x0  }
0x48: {  	s0 =	simm.s32 $0xAFF;
	[sflag:s7] =	ssyncadd.s32 $0xFFFFEC00  }
0x49: {  	[spmem:s11] =	stream.linear.scatter [tilespmem:s0], [sflag:$0x1], $0x1, $0x38;
	[tilespmem:$0x5B20] =	vst v63  }
0x4a: {  	_ =	swait.ge [sflag:s4], $0x1  }
0x4b: {  	[sflag:s4] =	ssyncset.done $0x0  }
0x4c: {  	[sflag:s4] =	ssyncadd.s32 $0xFFFFFFFF  }
0x4d: {  	v4 =	vld [tilespmem:$0x10]  }
0x4e: {  	v5 =	vld [tilespmem:$0x70]  }
0x4f: {  	v3 =	vld [tilespmem:$0x80];
	_ =	sdelay $0x2  }
0x50: {  	(v2sf) =	vpush v4, $0x0  }
0x51: {  	(v2sf) =	vpush v5, $0x0  }
0x52: {  	(v2sf) =	vpush v3, $0x0;
	_ =	sdelay $0xc  }
0x53: {  	s17 =	spop (v2sf)  }
0x54: {  	s2 =	spop (v2sf)  }
0x55: {  	s30 =	spop (v2sf)  }
0x56: {  	p0 =	seq.s32 s17, s2;
	p1 =	seq.s32 s30, s17  }
0x57: {  	p1 =	por p0, p1  }
0x58: {  	v4 =	vpsel p1, $0xFFFFFFFF, v4  }
0x59: {  	[tilespmem:s18+$0x0] =	vst.msk $0x1, v4  }
0x5a: {  	v4 =	vld [tilespmem:$0x30]  }
0x5b: {  	v5 =	vld [tilespmem:$0x3300]  }
0x5c: {  	v6 =	vld [tilespmem:$0x40];
	_ =	sdelay $0x3  }
0x5d: {  	vm4 =	vmmov vm1;
	vm6 =	vmmov vm2;
	vm5 =	vgt.s32 v4, v5  }
0x5e: {  	s3 =	simm.s32 $0x3300;
	vm4 =	vmmov @p0 vm2;
	v5 =	vsel vm5, v4, v5;
	vm5 =	vgt.s32 v4, v6  }
0x5f: {  	vm6 =	vmmov @p1 vm1;
	v4 =	vsel vm5, v4, v6;
	[tilespmem:s3+$0x0] =	vst.msk vm4, v5  }
0x60: {  	[tilespmem:s19+$0x0] =	vst.msk vm6, v4  }
0x61: {  	v4 =	vld [tilespmem:$0x28F0];
	_ =	sdelay $0x4  }
0x62: {  	v4 =	vshift.insert v4, v1, s20;
	_ =	sdelay $0x1  }
0x63: {  	v5 =	vimm.s32 $0x80000000;
	[tilespmem:s21+$0x0] =	vst.msk $0x1, v4  }
0x64: {  	[tilespmem:s22+$0x0] =	vst.msk $0x1, v5  }
0x65: {  	v4 =	vld [tilespmem:$0xAF0];
	_ =	sdelay $0x4  }
0x66: {  	v4 =	vshift.insert v4, v1, s20;
	_ =	sdelay $0x1  }
0x67: {  	[tilespmem:s23+$0x0] =	vst.msk $0x1, v4  }
0x68: {  	v6 =	vld [tilespmem:s3+$0x0]  }
0x69: {  	s16 =	simm.s32 $0x100  }
0x6a: {  	v7 =	vld [tilespmem:s16+$0x0];
	_ =	sdelay $0x2  }
0x6b: {  	vm4 =	vgt.s32 v6, v5  }
0x6c: {  	v5 =	vsel vm4, v6, v5  }
0x6d: {  	vm4 =	vne.s32 v7, $0xFFFFFFFF;
	v5 =	vxor.u32 $0x80000000, v5  }
0x6e: {  	(xrf0) =	vmax.seg.scan.u32 vm4, v5  }
0x6f: {  	s17 =	simm.s32 $0x1F00  }
0x70: {  	v8 =	vld [tilespmem:s17+$0x0]  }
0x71: {  	v6 =	vld [tilespmem:$0xA0];
	_ =	sdelay $0x2  }
0x72: {  	v5 =	vperm.xlane v4, v1;
	v9, _, _ =	vpop (xrf0)  }
0x73: {  	vm6 =	veq.s32 v7, v3;
	v9 =	vxor.u32 $0x80000000, v9  }
0x74: {  	vm8 =	veq.s32 v7, v5;
	vm5 =	veq.s32 v6, $0x1;
	vm7 =	vgt.s32 v9, v8  }
0x75: {  	vm8 =	vmor vm8, vm6;
	v6 =	vsel vm7, v9, v8;
	vm7 =	vgt.u32 v7, $0xFFFFFFFD  }
0x76: {  	v10 =	vld [tilespmem:$0x90];
	vm9 =	vmand vm4, vm3;
	vm4 =	vmor vm5, vm6;
	vm5 =	vmor vm8, vm7  }
0x77: {  	v8 =	vsel vm5, $0xFFFFFFFF, v7;
	_ =	sdelay $0x1  }
0x78: {  	s31 =	simm.s32 $0x4700  }
0x79: {  	s0 =	simm.s32 $0x0;
	s2 =	simm.s32 $0x3310;
	s3 =	simm.s32 $0x110;
	v11 =	vsel vm9, $0x80000000, v9;
	v6 =	vsel vm6, v9, v6  }
0x7a: {  	s16 =	simm.s32 $0x4710;
	s17 =	simm.s32 $0x1F10;
	[tilespmem:s31+$0x0] =	vst v6;
	v6 =	vsel vm6, v9, v10;
	v7 =	vshift.insert v11, v0, s20;
	(ifvalue) =	ssetifvalue $0xFFFFFFFF  }
.LBB2_9:
0x7b: {  	[hbm4b:s1+s14] =	stream.indirect_vreg.scatter [tilespmem:s31], [sflag:$0x2], $0x1, v8, vm0, $0x4038;
	[tilespmem:$0x5B20] =	vst v63  }
0x7c: {  	s0 =	sadd.s32 $0x10, s0;
	s31 =	smov.u32 s16;
	v8 =	vld [tilespmem:s2+$0x0]  }
0x7d: {  	p0 =	slt.u32 s0, $0x9F0  }
0x7e: {  	v9 =	vld [tilespmem:s3+$0x0];
	_ =	sdelay $0x2  }
0x7f: {  	vm5 =	vgt.s32 v8, v7  }
0x80: {  	v7 =	vsel vm5, v8, v7  }
0x81: {  	vm5 =	vne.s32 v9, $0xFFFFFFFF;
	v7 =	vxor.u32 $0x80000000, v7  }
0x82: {  	(xrf0) =	vmax.seg.scan.u32 vm5, v7;
	_ =	sdelay $0x2  }
0x83: {  	v7 =	vld [tilespmem:s17+$0x0];
	_ =	sdelay $0x1  }
0x84: {  	vm6 =	veq.s32 v9, v3;
	vm7 =	veq.s32 v9, v5  }
0x85: {  	vm8 =	vgt.u32 v9, $0xFFFFFFFD;
	vm4 =	vmor vm4, vm6;
	vm7 =	vmor vm7, vm6;
	v8, _, _ =	vpop (xrf0)  }
0x86: {  	vm5 =	vmand vm5, vm3;
	vm7 =	vmor vm7, vm8;
	v10 =	vxor.u32 $0x80000000, v8  }
.Ltmp7:
0x87: {  	v8 =	vsel vm7, $0xFFFFFFFF, v9;
	vm7 =	vgt.s32 v10, v7;
	v9 =	vsel vm5, $0x80000000, v10;
	(pc) =	sbr.rel @p0 .LBB2_9-.Ltmp7, $4  }
0x88: {  	v6 =	vsel vm6, v10, v6;
	v11 =	vsel vm7, v10, v7;
	v7 =	vshift.insert v9, v0, s20  }
0x89: {  	v9 =	vsel vm6, v10, v11  }
0x8a: {  	s2 =	sadd.s32 $0x10, s2;
	s3 =	sadd.s32 $0x10, s3;
	[tilespmem:s16+$0x0] =	vst v9  }
0x8b: {  	s17 =	sadd.s32 $0x10, s17;
	s16 =	sadd.s32 $0x10, s16;
	(ifvalue) =	ssetifvalue $0xFFFFFFFF  }
0x8c: {  	_ =	sdelay $0x3  }
0x8d: {  	[hbm4b:s1+s14] =	stream.indirect_vreg.scatter [tilespmem:s31], [sflag:$0x2], $0x1, v8, vm0, $0x4038;
	[tilespmem:$0x5B20] =	vst v63  }
0x8e: {  	v3 =	vld [tilespmem:$0x50F0];
	_ =	sdelay $0x4  }
0x8f: {  	v3 =	vshift.insert v3, v1, s20;
	_ =	sdelay $0x1  }
0x90: {  	[tilespmem:s24+$0x0] =	vst.msk $0x1, v3  }
0x91: {  	v3 =	vsel vm4, $0x1, v1;
	[tilespmem:$0x90] =	vst v6  }
0x92: {  	[tilespmem:$0xA0] =	vst v3  }
0x93: {  	[spmem:s12] =	stream.linear.scatter [tilespmem:s25], [sflag:$0x1], $0x1, $0x38;
	[tilespmem:$0x5B20] =	vst v63  }
0x94: {  	v3 =	vmctz.xlane vm4;
	_ =	swait.ge [sflag:s4], $0x1  }
0x95: {  	(v2sf) =	vpush v4, $0x0  }
0x96: {  	(v2sf) =	vpush v3, $0x0;
	_ =	sdelay $0xd  }
0x97: {  	s0 =	spop (v2sf)  }
0x98: {  	s2 =	spop (v2sf)  }
0x99: {  	[sflag:s4] =	ssyncset.done $0x0;
	p0 =	sne.s32 s30, s0;
	p1 =	slt.s32 s2, $0xF  }
0x9a: {  	[sflag:s4] =	ssyncadd.s32 $0xFFFFFFFF;
	v3 =	vimm.s32 @!p0 $0xFFFFFFFF;
	s2 =	simm.s32 @!p1 $0xF  }
0x9b: {  	[tilespmem:$0x80] =	vst @!p0 v3;
	s31 =	sadd.s32 $0x90, s2  }
0x9c: {  	[spmem:s10] =	stream.linear.scatter [tilespmem:s31], [sflag:$0x1], $0x1, $0x38;
	[tilespmem:$0x5B20] =	vst v63  }
0x9d: {  	_ =	swait.ge [sflag:s4], $0x1  }
0x9e: {  	[sflag:s4] =	ssyncset.done $0x0  }
0x9f: {  	[sflag:s4] =	ssyncadd.s32 $0xFFFFFFFF  }
0xa0: {  	[spmem:s13] =	stream.linear.scatter [tilespmem:s26], [sflag:$0x1], $0x1, $0x38;
	[tilespmem:$0x5B20] =	vst v63  }
0xa1: {  	_ =	swait.ge [sflag:s4], $0x1  }
0xa2: {  	[sflag:s4] =	ssyncset.done $0x0  }
0xa3: {  	[sflag:s4] =	ssyncadd.s32 $0xFFFFFFFF;
	(ifvalue) =	ssetifvalue $0xFFFFFFFF;
	v3 =	vld [tilespmem:$0x10];
	_ =	sdelay $0x3  }
.Ltmp8:
0xa4: {  	_ = 	snop;
	(pc) =	sbr.rel .LBB2_4-.Ltmp8, $3  }
0xa5: {  	_ =	sdelay $0x1  }
0xa6: {  	(ifvalue) =	ssetifvalue $0xFFFFFFFF  }
0xa7: {  	[hbm4b:s1+s14] =	stream.indirect_vreg.scatter [tilespmem:s19], [sflag:$0x9], $0x1, v3, vm0, $0x4038;
	[tilespmem:$0x5B20] =	vst v63  }
.LBB2_12:
0xa8: {  	s0 =	simm.s32 $0x2  }
0xa9: {  	_ =	swait.ge [sflag:s0], $0xA00  }
0xaa: {  	[sflag:s0] =	ssyncset.done $0x0  }
0xab: {  	s31 =	simm.s32 $0x9;
	[sflag:s0] =	ssyncadd.s32 $0xFFFFF600  }
0xac: {  	_ =	swait.ge [sflag:s31], $0x10  }
0xad: {  	[sflag:s31] =	ssyncset.done $0x0  }
0xae: {  	[sflag:s31] =	ssyncadd.s32 $0xFFFFFFF0  }
.LBB2_13:
0xaf: {  	_ =	sfence.sel $0x180000  }
0xb0: {  	s0 =	simm.s32 $0x7;
	[bflag:$0x0] =	sbarrier.arrive $0xFFFF  }
0xb1: {  	s26 =	simm.s32 $0x8;
	[sflag:s0] =	ssyncpa.u1 $0x1  }
0xb2: {  	s28 =	simm.s32 $0x9;
	[sflag:s26] =	ssyncpa.u1 $0x1  }
0xb3: {  	[sflag:s28] =	ssyncpa.u1 $0x1  }
0xb4: {  	_ =	sfence.stream.spmem  }
0xb5: {  	s29 =	simm.s32 $0x3;
	[bflag:$0x0] =	sbarrier.arrive $0xFFFF  }
0xb6: {  	s30 =	simm.s32 $0x4;
	[sflag:s29] =	ssyncpa.u1 $0x1  }
0xb7: {  	s31 =	simm.s32 $0x3C;
	s2 =	stileid.u32;
	[sflag:s30] =	ssyncpa.u1 $0x1  }
0xb8: {  	p0 =	sne.s32 s2, $0x0;
	[sflag:s31] =	ssyncpa.u1 $0x1  }
0xb9: {  	s0 =	simm.s32 @p0 $0x1;
	_ =	sfence @p0  }
0xba: {  	[sflag:s0] =	ssyncpa.u1 @p0 $0x1;
	s0 =	simm.s32 @p0 $0x2  }
0xbb: {  	[sflag:s0] =	ssyncpa.u1 @p0 $0x1  }
0xbc: {  	_ =	strace @p0 $0x90000047  }
0xbd: {  	[bflag:$0x2] =	sbarrier.arrive @p0 $0xFFFF  }
0xbe: {  	_ =	shalt @p0  }
.LBB2_14:
0xbf: {  	_ =	sfence.stream.spmem;
	s0 =	simm.s32 $0x5  }
0xc0: {  	s2 =	simm.s32 $0x80;
	s3 =	simm.s32 $0xC0;
	[sflag:s0] =	ssyncpa.u1 $0x0  }
0xc1: {  	[tilespmem:s3], [sflag:$0x5] =	stream.linear.gather [spmem:s2], $0x20, $0x38;
	[tilespmem:$0x5B20] =	vst v63  }
0xc2: {  	s30 =	simm.s32 $0xE0;
	s2 =	simm.s32 $0x0  }
0xc3: {  	[tilespmem:s30], [sflag:$0x5] =	stream.linear.gather [spmem:s2], $0x20, $0x38;
	[tilespmem:$0x5B20] =	vst v63  }
.Ltmp9:
0xc4: {  	_ = 	snop;
	(pc) =	sbr.rel .LBB2_15-.Ltmp9, $4  }
0xc5: {  	_ =	swait.ge [sflag:s0], $0x40  }
0xc6: {  	[sflag:s0] =	ssyncset.done $0x0  }
0xc7: {  	s31 =	simm.s32 $0x6;
	[sflag:s0] =	ssyncadd.s32 $0xFFFFFFC0  }
0xc8: {  	s3 =	simm.s32 $0x0;
	[sflag:s31] =	ssyncpa.u1 $0x0  }
.LBB2_20:
0xc9: {  	p0 =	sgt.u32 s4, $0x31FFF  }
0xca: {  	s0 =	sshrl.u32 @!p0 s4, $0x3  }
0xcb: {  	s4 =	sand.u32 @!p0 $0x7, s4;
	s5 =	simm.s32 @!p0 $0xB0;
	s0 =	sadd.s32 @!p0 s1, s0  }
0xcc: {  	[tilespmem:s5], [sflag:$0x6] =	stream.linear.gather @!p0 [hbm4b:s0+s4], $0x1, $0x38;
	[tilespmem:$0x5B20] =	vst v63  }
0xcd: {  	s0 =	simm.s32 @!p0 $0x6  }
0xce: {  	_ =	swait.ge @!p0 [sflag:s0], $0x1  }
0xcf: {  	[sflag:s0] =	ssyncset.done @!p0 $0x0  }
0xd0: {  	[sflag:s0] =	ssyncadd.s32 @!p0 $0xFFFFFFFF  }
0xd1: {  	v1 =	vld.msk @!p0 [tilespmem:$0xB0], $0x1  }
0xd2: {  	v2 =	vld.msk @!p0 [tilespmem:s3+$0xE0], $0x1;
	_ =	sdelay $0x4  }
0xd3: {  	vm0 =	vgt.s32 @!p0 v2, v1  }
0xd4: {  	v1 =	vsel @!p0 vm0, v2, v1  }
0xd5: {  	[tilespmem:s3+$0xE0] =	vst.msk @!p0 $0x1, v1  }
0xd6: {  	[tilespmem:s2+$0xC0] =	vst.msk $0x1, v0  }
0xd7: {  	v0 =	vld.msk [tilespmem:s3+$0xE0], $0x1;
	_ =	sdelay $0x4  }
0xd8: {  	[tilespmem:s2+$0xE0] =	vst.msk $0x1, v0;
	s2 =	sadd.s32 $0x1, s2  }
.LBB2_22:
0xd9: {  	s3 =	sadd.s32 $0x1, s3  }
0xda: {  	p0 =	sne.s32 s3, $0x20  }
.Ltmp10:
0xdb: {  	_ = 	snop;
	(pc) =	sbr.rel @!p0 .LBB2_23-.Ltmp10, $1  }
0xdc: {  	_ =	sdelay $0x3  }
.LBB2_15:
0xdd: {  	v0 =	vld.msk [tilespmem:s3+$0xC0], $0x1;
	_ =	sdelay $0x4  }
0xde: {  	(v2sf) =	vpush v0, $0x0;
	_ =	sdelay $0xe  }
0xdf: {  	s4 =	spop (v2sf)  }
0xe0: {  	p0 =	seq.s32 s4, $0xFFFFFFFF  }
.Ltmp11:
0xe1: {  	_ = 	snop;
	(pc) =	sbr.rel @p0 .LBB2_22-.Ltmp11, $1  }
0xe2: {  	_ =	sdelay $0x3  }
0xe3: {  	p0 =	slt.s32 s2, $0x1  }
.Ltmp12:
0xe4: {  	_ = 	snop;
	(pc) =	sbr.rel @p0 .LBB2_20-.Ltmp12, $1  }
0xe5: {  	_ =	sdelay $0x3  }
0xe6: {  	s0 =	simm.s32 $0xC0;
	p0 =	por $0x0, $0x0  }
0xe7: {  	v1 =	vld.msk @!p0 [tilespmem:s0+$0x0], $0x1;
	_ =	sdelay $0x4  }
0xe8: {  	(v2sf) =	vpush @!p0 v1, $0x0;
	_ =	sdelay $0xd  }
0xe9: {  	p2 =	sne.s32 s2, $0x1  }
.Ltmp13:
0xea: {  	s5 =	spop @!p0 (v2sf);
	(pc) =	sbr.rel @!p2 .LBB2_19-.Ltmp13, $4  }
0xeb: {  	p1 =	seq.s32 @!p0 s4, s5  }
0xec: {  	s5 =	simm.s32 $0x0;
	p1 =	por !p1, p0  }
0xed: {  	s7 =	simm.s32 $0xFFFFFFFF;
	s5 =	simm.s32 @p1 $0xFFFFFFFF  }
0xee: {  	s6 =	simm.s32 $0x1;
	s5 =	smov.u32 @p0 s7  }
.LBB2_18:
0xef: {  	s7 =	smov.u32 s5;
	p0 =	sne.s32 s5, $0xFFFFFFFF  }
0xf0: {  	s0 =	sadd.s32 $0x1, s0;
	s5 =	smov.u32 s6;
	s6 =	sadd.s32 $0x1, s6  }
0xf1: {  	p1 =	sne.s32 s2, s6;
	v1 =	vld.msk @!p0 [tilespmem:s0+$0x0], $0x1;
	_ =	sdelay $0x4  }
0xf2: {  	(v2sf) =	vpush @!p0 v1, $0x0;
	_ =	sdelay $0xe  }
.Ltmp14:
0xf3: {  	s8 =	spop @!p0 (v2sf);
	(pc) =	sbr.rel @p1 .LBB2_18-.Ltmp14, $4  }
0xf4: {  	p2 =	seq.s32 @!p0 s4, s8  }
0xf5: {  	p2 =	por !p2, p0  }
0xf6: {  	s5 =	simm.s32 @p2 $0xFFFFFFFF  }
0xf7: {  	s5 =	smov.u32 @p0 s7  }
.LBB2_19:
0xf8: {  	p0 =	sne.s32 s5, $0xFFFFFFFF  }
.Ltmp15:
0xf9: {  	_ = 	snop;
	(pc) =	sbr.rel @!p0 .LBB2_20-.Ltmp15, $1  }
0xfa: {  	_ =	sdelay $0x3  }
0xfb: {  	v0 =	vld.msk [tilespmem:s3+$0xE0], $0x1  }
0xfc: {  	v1 =	vld.msk [tilespmem:s5+$0xE0], $0x1;
	_ =	sdelay $0x2  }
.Ltmp16:
0xfd: {  	_ = 	snop;
	(pc) =	sbr.rel .LBB2_22-.Ltmp16, $4  }
0xfe: {  	_ = 	snop  }
0xff: {  	vm0 =	vgt.s32 v1, v0  }
0x100: {  	v0 =	vsel vm0, v1, v0  }
0x101: {  	[tilespmem:s5+$0xE0] =	vst.msk $0x1, v0  }
.LBB2_23:
0x102: {  	p0 =	slt.s32 s2, $0x1  }
.Ltmp17:
0x103: {  	_ = 	snop;
	(pc) =	sbr.rel @p0 .LBB2_27-.Ltmp17, $3  }
0x104: {  	_ =	sdelay $0x1  }
0x105: {  	s0 =	simm.s32 $0x6  }
0x106: {  	[sflag:s0] =	ssyncpa.u1 $0x1;
	s0 =	simm.s32 $0x0  }
0x107: {  	s3 =	simm.s32 $0xC0  }
0x108: {  	v0 =	vld.msk [tilespmem:s3+$0x0], $0x1;
	_ =	sdelay $0x4  }
0x109: {  	(v2sf) =	vpush v0, $0x0;
	_ =	sdelay $0xe  }
0x10a: {  	s2 =	sadd.s32 $0xFFFFFFFF, s2;
	s4 =	spop (v2sf)  }
0x10b: {  	p1 =	sne.s32 s2, $0x0;
	p0 =	sgt.u32 s4, $0x31FFF  }
.Ltmp18:
0x10c: {  	s5 =	sshrl.u32 @!p0 s4, $0x3;
	(pc) =	sbr.rel @!p1 .LBB2_26-.Ltmp18, $4  }
0x10d: {  	s3 =	simm.s32 $0xE0;
	s4 =	sand.u32 @!p0 $0x7, s4;
	s5 =	sadd.s32 @!p0 s1, s5  }
0x10e: {  	[hbm4b:s5+s4] =	stream.linear.scatter @!p0 [tilespmem:s3], [sflag:$0x5], $0x1, $0x38;
	[tilespmem:$0x5B20] =	vst v63  }
0x10f: {  	s5 =	simm.s32 $0x0  }
0x110: {  	s4 =	simm.s32 $0xC1;
	s5 =	simm.s32 @!p0 $0x4  }
.LBB2_25:
0x111: {  	v0 =	vld.msk [tilespmem:s4+$0x0], $0x1;
	s2 =	sadd.s32 $0xFFFFFFFF, s2;
	s0 =	sadd.s32 s0, s5  }
0x112: {  	p0 =	sne.s32 s2, $0x0;
	_ =	sdelay $0x3  }
0x113: {  	(v2sf) =	vpush v0, $0x0;
	_ =	sdelay $0xe  }
.Ltmp19:
0x114: {  	s6 =	spop (v2sf);
	(pc) =	sbr.rel @p0 .LBB2_25-.Ltmp19, $4  }
0x115: {  	s5 =	simm.s32 $0x0;
	p1 =	sgt.u32 s6, $0x31FFF  }
0x116: {  	s3 =	sadd.s32 $0x1, s3;
	s5 =	simm.s32 @!p1 $0x4;
	s7 =	sshrl.u32 @!p1 s6, $0x3  }
0x117: {  	s4 =	sadd.s32 $0x1, s4;
	s6 =	sand.u32 @!p1 $0x7, s6;
	s7 =	sadd.s32 @!p1 s1, s7  }
0x118: {  	[hbm4b:s7+s6] =	stream.linear.scatter @!p1 [tilespmem:s3], [sflag:$0x5], $0x1, $0x38;
	[tilespmem:$0x5B20] =	vst v63  }
.LBB2_26:
0x119: {  	s0 =	sadd.s32 s0, s5  }
0x11a: {  	s0 =	sshrl.u32 s0, $0x2  }
.LBB2_27:
0x11b: {  	s1 =	simm.s32 $0x5  }
0x11c: {  	_ =	swait.ge [sflag:s1], s0  }
0x11d: {  	s28 =	ssub.s32 $0x0, s0;
	[sflag:s1] =	ssyncset.done $0x0  }
0x11e: {  	[sflag:s1] =	ssyncadd.s32 s28  }
0x11f: {  	[sflag:s1] =	ssyncpa.u1 $0x1  }
0x120: {  	s29 =	simm.s32 $0x1;
	_ =	sfence  }
0x121: {  	s30 =	simm.s32 $0x2;
	[sflag:s29] =	ssyncpa.u1 $0x1  }
0x122: {  	[sflag:s30] =	ssyncpa.u1 $0x1  }
0x123: {  	_ =	strace $0x90000047  }
0x124: {  	[bflag:$0x2] =	sbarrier.arrive $0xFFFF  }
0x125: {  	s31 =	rddreg [dreg:$0x2]  }
0x126: {  	s0 =	sadd.s32 $0x100000, s31  }
0x127: {  	[sflag:s0] =	ssyncadd.tile.s32 $0x1;
	_ =	shalt  }
.Lfunc_end2:
_tile_overlayer_lowered:
.L_overlay_start_2:
0x128: {  	(tag) =	ssettag $0x2  }
0x129: {  	s0 =	rddreg [dreg:$0x0];
	s2 =	stileid.u32  }
0x12a: {  	s1 =	rddreg [dreg:$0x1];
	p0 =	sne.s32 s2, $0x0  }
0x12b: {  	s3 =	rddreg [dreg:$0x2];
	[bflag:$0x3] =	sbarrier.arrive $0xFFFF;
	s2 =	simm.s32 @!p0 $0x1C01  }
0x12c: {  	[timem:s3], [sflag:s2] =	dma.local @!p0 [hbm:s0], s1  }
0x12d: {  	s0 =	simm.s32 @!p0 $0x1  }
0x12e: {  	_ =	swait.ge @!p0 [sflag:s0], s1  }
0x12f: {  	s1 =	ssub.s32 @!p0 $0x0, s1;
	[sflag:s0] =	ssyncset.done @!p0 $0x0  }
0x130: {  	[sflag:s0] =	ssyncadd.s32 @!p0 s1  }
0x131: {  	[bflag:$0x3] =	sbarrier.arrive $0xFFFF  }
0x132: {  	_ =	shalt  }

</sc_bundles>
